<compile_context>
chip_gen: v7x
topology: tpu7x:2x2x1
jax: 0.10.2.dev20260603
libtpu: 0.0.44.dev20260713+nightly
codegen_flags: <defaults>
</compile_context>

<pallas_src>
import functools

import jax
import jax.numpy as jnp
from jax import lax
from jax.experimental import pallas as pl
from jax.experimental.pallas import tpu as pltpu
from jax.experimental.pallas import tpu_sc as plsc

N_NODES = 10000
N_PAD = 10240
D = 128
DH = 64
N_EDGES = 320000
NUM_CORES = 2
NUM_SUBCORES = 16
CHUNK = 125
NCH = N_EDGES // (NUM_SUBCORES * CHUNK)
EDGES_PER_SUB = NCH * CHUNK
ROWS_PER_SUB = N_PAD // NUM_SUBCORES
CW = 16


def _agg_body(with_counts, xv_hbm, si_hbm, di_hbm, *refs):
    if with_counts:
        (p_hbm, c_hbm, srcv, dstv, rows, zero16, onesv, acc, cnt, gsem) = refs
    else:
        (p_hbm, srcv, dstv, rows, zero16, onesv, acc, cnt, gsem) = refs
    c = lax.axis_index("c")
    s = lax.axis_index("s")

    pltpu.sync_copy(si_hbm.at[s], srcv)
    pltpu.sync_copy(di_hbm.at[s], dstv)

    @pl.loop(0, NCH)
    def _(r):
        vt = srcv[r, pl.ds(CHUNK - 16, 16)]
        for q in range(CHUNK // 16):
            v = srcv[r, pl.ds(q * 16, 16)]
            srcv[r, pl.ds(q * 16, 16)] = v * 2 + c
        srcv[r, pl.ds(CHUNK - 16, 16)] = vt * 2 + c

    @pl.loop(0, CHUNK)
    def _(r):
        for q in range(DH // 16):
            rows[0, r, pl.ds(q * 16, 16)] = jnp.zeros((16,), jnp.float32)

    if with_counts:
        @pl.loop(0, 64)
        def _(r):
            zero16[r, pl.ds(0, 16)] = jnp.zeros((16,), jnp.float32)

        @pl.loop(0, CHUNK)
        def _(r):
            onesv[r, pl.ds(0, 16)] = jnp.ones((16,), jnp.float32)

    base = s * ROWS_PER_SUB

    @pl.loop(0, ROWS_PER_SUB // 125)
    def _(i):
        pltpu.sync_copy(rows.at[0], acc.at[pl.ds(base + i * 125, 125)])
    pltpu.sync_copy(rows.at[0, pl.ds(0, 15)],
                    acc.at[pl.ds(base + 625, 15)])

    if with_counts:
        @pl.loop(0, ROWS_PER_SUB // 64)
        def _(i):
            pltpu.sync_copy(zero16, cnt.at[pl.ds(base + i * 64, 64)])

    plsc.subcore_barrier()

    def g_copy(k, b):
        return pltpu.make_async_copy(xv_hbm.at[srcv.at[k]], rows.at[b],
                                     gsem.at[b])

    g_copy(0, 0).start()

    @pl.loop(0, NCH, step=2)
    def _(j):
        for b in range(2):
            k = j + b
            g_copy(k, b).wait()

            @pl.when(k + 1 < NCH)
            def _():
                g_copy(k + 1, 1 - b).start()

            pltpu.sync_copy(rows.at[b], acc.at[dstv.at[k]], add=True)
            if with_counts:
                @pl.when((k < NCH // 2) == (c == 0))
                def _():
                    pltpu.sync_copy(onesv, cnt.at[dstv.at[k]], add=True)

    plsc.subcore_barrier()

    pltpu.sync_copy(acc.at[pl.ds(base, ROWS_PER_SUB)],
                    p_hbm.at[pl.ds(base, ROWS_PER_SUB), c])
    if with_counts:
        pltpu.sync_copy(cnt.at[pl.ds(base, ROWS_PER_SUB)],
                        c_hbm.at[pl.ds(base, ROWS_PER_SUB), c])


@functools.cache
def _make_agg(n_src_rows, with_counts):
    mesh = plsc.VectorSubcoreMesh(core_axis_name="c", subcore_axis_name="s")
    out_type = [jax.ShapeDtypeStruct((N_PAD, NUM_CORES, DH), jnp.float32)]
    if with_counts:
        out_type.append(
            jax.ShapeDtypeStruct((N_PAD, NUM_CORES, CW), jnp.float32))
    scratch_types = [
        pltpu.VMEM((NCH, CHUNK), jnp.int32),
        pltpu.VMEM((NCH, CHUNK), jnp.int32),
        pltpu.VMEM((2, CHUNK, DH), jnp.float32),
        pltpu.VMEM((64, CW), jnp.float32),
        pltpu.VMEM((CHUNK, CW), jnp.float32),
        pltpu.VMEM_SHARED((N_PAD, DH), jnp.float32),
        pltpu.VMEM_SHARED((N_PAD, CW), jnp.float32),
        pltpu.SemaphoreType.DMA((2,)),
    ]
    return pl.kernel(functools.partial(_agg_body, with_counts),
                     out_type=out_type, mesh=mesh,
                     scratch_types=scratch_types,
                     compiler_params=pltpu.CompilerParams(
                         use_tc_tiling_on_sc=False))


def _update1_body(p_ref, c_ref, w_ref, b_ref, o_ref):
    ssum = p_ref[...]
    cnt = c_ref[:, 0:1] + c_ref[:, CW:CW + 1]
    inv = 1.0 / jnp.maximum(cnt, 1.0)
    h = jnp.dot(ssum * inv, w_ref[...], preferred_element_type=jnp.float32)
    o_ref[...] = jnp.maximum(h + b_ref[...], 0.0)


def _update2_body(q_ref, c_ref, w2_ref, b2_ref, w3_ref, b3_ref, o_ref):
    ssum = q_ref[:N_NODES, :]
    cnt = c_ref[:N_NODES, 0:1] + c_ref[:N_NODES, CW:CW + 1]
    inv = 1.0 / jnp.maximum(cnt, 1.0)
    h = jnp.dot(ssum * inv, w2_ref[...], preferred_element_type=jnp.float32)
    h = jnp.maximum(h + b2_ref[...], 0.0)
    o_ref[...] = jnp.dot(h, w3_ref[...],
                         preferred_element_type=jnp.float32) + b3_ref[...]


def _update1(p, c, w1t, b1):
    return pl.pallas_call(
        _update1_body,
        out_shape=jax.ShapeDtypeStruct((N_PAD, D), jnp.float32),
    )(p, c, w1t, b1)


def _update2(q, c, w2t, b2, w3t, b3):
    return pl.pallas_call(
        _update2_body,
        out_shape=jax.ShapeDtypeStruct((N_NODES, D), jnp.float32),
    )(q, c, w2t, b2, w3t, b3)


def kernel(x, edge_index, W1, b1, W2, b2, W3, b3):
    si = edge_index[0].astype(jnp.int32).reshape(NUM_SUBCORES, NCH, CHUNK)
    di = edge_index[1].astype(jnp.int32).reshape(NUM_SUBCORES, NCH, CHUNK)

    w1t = W1.T
    w2t = W2.T
    w3t = W3.T
    b1r = b1.reshape(1, D)
    b2r = b2.reshape(1, D)
    b3r = b3.reshape(1, D)

    xv = x.reshape(2 * N_NODES, DH)
    p1, c1 = _make_agg(2 * N_NODES, True)(xv, si, di)
    c1f = c1.reshape(N_PAD, NUM_CORES * CW)
    h1 = _update1(p1.reshape(N_PAD, D), c1f, w1t, b1r)
    (p2,) = _make_agg(2 * N_PAD, False)(h1.reshape(2 * N_PAD, DH), si, di)
    return _update2(p2.reshape(N_PAD, D), c1f, w2t, b2r, w3t, b3r)

# --- scband reference (transcript-rebuilt; emitter-appended) ---
"""Pipeline reference for scband-mean-agg-mpnn-uw-54485955117462 (READ-ONLY COPY).

The authoritative reference and input builder live on the scoring server;
editing this copy changes nothing except your own understanding.
"""

import jax, jax.numpy as jnp
import numpy as np

N_NODES = 10000
N_EDGES = 320000
D_IN = 128
CL1_F = 128
CL2_F = 128
OUT_F = 128


def setup_inputs(seed: int = 0) -> dict:
    key = jax.random.key(seed)
    k_x, k_ei, k1, k2, k3, kb1, kb2, kb3 = jax.random.split(key, 8)
    x = jax.random.normal(k_x, (N_NODES, D_IN), dtype=jnp.float32)
    edge_index = jax.random.randint(k_ei, (2, N_EDGES), 0, N_NODES, dtype=jnp.int64)
    # Linear params (out_features, in_features) like torch nn.Linear
    W1 = jax.random.normal(k1, (CL1_F, D_IN), dtype=jnp.float32) / np.sqrt(D_IN)
    b1 = jax.random.normal(kb1, (CL1_F,), dtype=jnp.float32) * 0.01
    W2 = jax.random.normal(k2, (CL2_F, CL1_F), dtype=jnp.float32) / np.sqrt(CL1_F)
    b2 = jax.random.normal(kb2, (CL2_F,), dtype=jnp.float32) * 0.01
    W3 = jax.random.normal(k3, (OUT_F, CL2_F), dtype=jnp.float32) / np.sqrt(CL2_F)
    b3 = jax.random.normal(kb3, (OUT_F,), dtype=jnp.float32) * 0.01
    return {"x": x, "edge_index": edge_index, "W1": W1, "b1": b1,
            "W2": W2, "b2": b2, "W3": W3, "b3": b3}


def _mean_agg(x, src, dst, num_nodes):
    # PyG MessagePassing aggr='mean': gather x_j from source nodes,
    # scatter-mean onto destination nodes; isolated dst nodes get 0.
    msgs = jnp.take(x, src, axis=0)
    summed = jax.ops.segment_sum(msgs, dst, num_segments=num_nodes)
    cnt = jax.ops.segment_sum(jnp.ones((src.shape[0],), dtype=x.dtype), dst,
                              num_segments=num_nodes)
    return summed / jnp.clip(cnt, 1.0, None)[:, None]


def reference(x, edge_index, W1, b1, W2, b2, W3, b3):
    src = edge_index[0]
    dst = edge_index[1]
    n = x.shape[0]
    # conv1: mean aggregate then update = relu(lin(aggr_out))
    h = _mean_agg(x, src, dst, n)
    h = jax.nn.relu(h @ W1.T + b1)
    h = jax.nn.relu(h)  # extra relu in outer forward (idempotent)
    # conv2
    h = _mean_agg(h, src, dst, n)
    h = jax.nn.relu(h @ W2.T + b2)
    h = jax.nn.relu(h)
    # dropout is identity in eval mode
    out = h @ W3.T + b3
    return out

if __name__ == "__main__":
    import jax
    _d = setup_inputs()
    print(jax.jit(kernel)(*tuple(_d.values())))

</pallas_src>

<mosaic_0001>
#map = affine_map<(d0, d1) -> (0, 0)>
#map1 = affine_map<(d0, d1) -> (0, 0, 0)>
module attributes {stable_mosaic.version = 14 : i64} {
  func.func @_agg_body(%arg0: i32, %arg1: i32, %arg2: memref<20000x64xf32, #tpu.memory_space<hbm>>, %arg3: memref<16x160x125xi32, #tpu.memory_space<hbm>>, %arg4: memref<16x160x125xi32, #tpu.memory_space<hbm>>, %arg5: memref<10240x2x64xf32, #tpu.memory_space<hbm>>, %arg6: memref<10240x2x16xf32, #tpu.memory_space<hbm>>, %arg7: memref<160x125xi32, #tpu.memory_space<vmem>>, %arg8: memref<160x125xi32, #tpu.memory_space<vmem>>, %arg9: memref<2x125x64xf32, #tpu.memory_space<vmem>>, %arg10: memref<64x16xf32, #tpu.memory_space<vmem>>, %arg11: memref<125x16xf32, #tpu.memory_space<vmem>>, %arg12: memref<10240x64xf32, #tpu.memory_space<vmem_shared>>, %arg13: memref<10240x16xf32, #tpu.memory_space<vmem_shared>>, %arg14: memref<2x!tpu.dma_semaphore, #tpu.memory_space<semaphore_mem>>) attributes {dimension_semantics = [#tpu.dimension_semantics<core_parallel>, #tpu.dimension_semantics<subcore_parallel>], iteration_bounds = array<i64: 2, 16>, scalar_prefetch = 0 : i64, scratch_operands = 8 : i64, tpu.core_type = #tpu.core_type<sc_vector_subcore>, window_params = [{transform_indices = #map}, {transform_indices = #map1}, {transform_indices = #map1}, {transform_indices = #map1}, {transform_indices = #map1}]} {
    "tpu.region"() ({
      %run_scoped3A_51 = tpu.sem_alloc : memref<!tpu.dma_semaphore, #tpu.memory_space<semaphore_mem>>
      %dma_start3A_52 = arith.constant 0 : i32
      %dma_start3A_53 = arith.constant 0 : i32
      %dma_start3A_54 = tpu.memref_slice %arg3[%arg1, %dma_start3A_52, %dma_start3A_53] : memref<16x160x125xi32, #tpu.memory_space<hbm>> -> memref<1x160x125xi32, #tpu.memory_space<hbm>>
      %dma_start3A_55 = tpu.memref_squeeze %dma_start3A_54 : memref<1x160x125xi32, #tpu.memory_space<hbm>> -> memref<160x125xi32, #tpu.memory_space<hbm>>
      %dma_start3A_56 = arith.constant 0 : i32
      %dma_start3A_57 = arith.constant 0 : i32
      %dma_start3A_58 = tpu.memref_slice %arg3[%arg1, %dma_start3A_56, %dma_start3A_57] : memref<16x160x125xi32, #tpu.memory_space<hbm>> -> memref<1x160x125xi32, #tpu.memory_space<hbm>>
      %dma_start3A_59 = tpu.memref_squeeze %dma_start3A_58 : memref<1x160x125xi32, #tpu.memory_space<hbm>> -> memref<160x125xi32, #tpu.memory_space<hbm>>
      tpu.enqueue_dma source(%dma_start3A_59 : memref<160x125xi32, #tpu.memory_space<hbm>>) target(%arg7 : memref<160x125xi32, #tpu.memory_space<vmem>>) target_semaphore(%run_scoped3A_51 : memref<!tpu.dma_semaphore, #tpu.memory_space<semaphore_mem>>)
      %dma_wait3A = arith.constant 0 : i32
      %dma_wait3A_60 = arith.constant 0 : i32
      %dma_wait3A_61 = tpu.memref_slice %arg3[%arg1, %dma_wait3A, %dma_wait3A_60] : memref<16x160x125xi32, #tpu.memory_space<hbm>> -> memref<1x160x125xi32, #tpu.memory_space<hbm>>
      %dma_wait3A_62 = tpu.memref_squeeze %dma_wait3A_61 : memref<1x160x125xi32, #tpu.memory_space<hbm>> -> memref<160x125xi32, #tpu.memory_space<hbm>>
      %dma_wait3A_63 = arith.constant 0 : i32
      %dma_wait3A_64 = arith.constant 0 : i32
      %dma_wait3A_65 = tpu.memref_slice %arg3[%arg1, %dma_wait3A_63, %dma_wait3A_64] : memref<16x160x125xi32, #tpu.memory_space<hbm>> -> memref<1x160x125xi32, #tpu.memory_space<hbm>>
      %dma_wait3A_66 = tpu.memref_squeeze %dma_wait3A_65 : memref<1x160x125xi32, #tpu.memory_space<hbm>> -> memref<160x125xi32, #tpu.memory_space<hbm>>
      tpu.wait_dma2 semaphore(%run_scoped3A_51 : memref<!tpu.dma_semaphore, #tpu.memory_space<semaphore_mem>>) src(%dma_wait3A_66 : memref<160x125xi32, #tpu.memory_space<hbm>>) dst(%arg7 : memref<160x125xi32, #tpu.memory_space<vmem>>)
      tpu.yield
    }) : () -> ()
    "tpu.region"() ({
      %run_scoped3A_51 = tpu.sem_alloc : memref<!tpu.dma_semaphore, #tpu.memory_space<semaphore_mem>>
      %dma_start3A_52 = arith.constant 0 : i32
      %dma_start3A_53 = arith.constant 0 : i32
      %dma_start3A_54 = tpu.memref_slice %arg4[%arg1, %dma_start3A_52, %dma_start3A_53] : memref<16x160x125xi32, #tpu.memory_space<hbm>> -> memref<1x160x125xi32, #tpu.memory_space<hbm>>
      %dma_start3A_55 = tpu.memref_squeeze %dma_start3A_54 : memref<1x160x125xi32, #tpu.memory_space<hbm>> -> memref<160x125xi32, #tpu.memory_space<hbm>>
      %dma_start3A_56 = arith.constant 0 : i32
      %dma_start3A_57 = arith.constant 0 : i32
      %dma_start3A_58 = tpu.memref_slice %arg4[%arg1, %dma_start3A_56, %dma_start3A_57] : memref<16x160x125xi32, #tpu.memory_space<hbm>> -> memref<1x160x125xi32, #tpu.memory_space<hbm>>
      %dma_start3A_59 = tpu.memref_squeeze %dma_start3A_58 : memref<1x160x125xi32, #tpu.memory_space<hbm>> -> memref<160x125xi32, #tpu.memory_space<hbm>>
      tpu.enqueue_dma source(%dma_start3A_59 : memref<160x125xi32, #tpu.memory_space<hbm>>) target(%arg8 : memref<160x125xi32, #tpu.memory_space<vmem>>) target_semaphore(%run_scoped3A_51 : memref<!tpu.dma_semaphore, #tpu.memory_space<semaphore_mem>>)
      %dma_wait3A = arith.constant 0 : i32
      %dma_wait3A_60 = arith.constant 0 : i32
      %dma_wait3A_61 = tpu.memref_slice %arg4[%arg1, %dma_wait3A, %dma_wait3A_60] : memref<16x160x125xi32, #tpu.memory_space<hbm>> -> memref<1x160x125xi32, #tpu.memory_space<hbm>>
      %dma_wait3A_62 = tpu.memref_squeeze %dma_wait3A_61 : memref<1x160x125xi32, #tpu.memory_space<hbm>> -> memref<160x125xi32, #tpu.memory_space<hbm>>
      %dma_wait3A_63 = arith.constant 0 : i32
      %dma_wait3A_64 = arith.constant 0 : i32
      %dma_wait3A_65 = tpu.memref_slice %arg4[%arg1, %dma_wait3A_63, %dma_wait3A_64] : memref<16x160x125xi32, #tpu.memory_space<hbm>> -> memref<1x160x125xi32, #tpu.memory_space<hbm>>
      %dma_wait3A_66 = tpu.memref_squeeze %dma_wait3A_65 : memref<1x160x125xi32, #tpu.memory_space<hbm>> -> memref<160x125xi32, #tpu.memory_space<hbm>>
      tpu.wait_dma2 semaphore(%run_scoped3A_51 : memref<!tpu.dma_semaphore, #tpu.memory_space<semaphore_mem>>) src(%dma_wait3A_66 : memref<160x125xi32, #tpu.memory_space<hbm>>) dst(%arg8 : memref<160x125xi32, #tpu.memory_space<vmem>>)
      tpu.yield
    }) : () -> ()
    %scan3A = arith.constant 0 : i32
    %scan3A_0 = arith.constant 160 : i32
    %scan3A_1 = arith.addi %scan3A, %scan3A_0 : i32
    %scan3A_2 = arith.constant 1 : i32
    scf.for %scan3A_51 = %scan3A to %scan3A_1 step %scan3A_2  : i32 {
      %mul3A_52 = arith.constant 1 : i32
      %mul3A_53 = arith.muli %scan3A_51, %mul3A_52 : i32
      %add3A_54 = arith.constant 0 : i32
      %add3A_55 = arith.addi %add3A_54, %mul3A_53 : i32
      %get3A = arith.index_cast %add3A_55 : i32 to index
      %get3A_56 = arith.constant 109 : index
      %get3A_57 = tpu.vector_load %arg7[%get3A, %get3A_56] {strides = array<i32>} : memref<160x125xi32, #tpu.memory_space<vmem>>, vector<1x16xi32>,
      %get3A_58 = vector.shape_cast %get3A_57 : vector<1x16xi32> to vector<16xi32>
      %get3A_59 = arith.index_cast %add3A_55 : i32 to index
      %get3A_60 = arith.constant 0 : index
      %get3A_61 = tpu.vector_load %arg7[%get3A_59, %get3A_60] {strides = array<i32>} : memref<160x125xi32, #tpu.memory_space<vmem>>, vector<1x16xi32>,
      %get3A_62 = vector.shape_cast %get3A_61 : vector<1x16xi32> to vector<16xi32>
      %mul3A_63 = arith.constant 2 : i32
      %mul3A_64 = vector.broadcast %mul3A_63 : i32 to vector<16xi32>
      %mul3A_65 = arith.muli %get3A_62, %mul3A_64 : vector<16xi32>
      %add3A_66 = vector.broadcast %arg0 : i32 to vector<16xi32>
      %add3A_67 = arith.addi %mul3A_65, %add3A_66 : vector<16xi32>
      %swap3A = arith.index_cast %add3A_55 : i32 to index
      %swap3A_68 = arith.constant 0 : index
      %swap3A_69 = tpu.vector_load %arg7[%swap3A, %swap3A_68] {strides = array<i32>} : memref<160x125xi32, #tpu.memory_space<vmem>>, vector<1x16xi32>,
      %swap3A_70 = vector.shape_cast %swap3A_69 : vector<1x16xi32> to vector<16xi32>
      %swap3A_71 = vector.shape_cast %add3A_67 : vector<16xi32> to vector<1x16xi32>
      tpu.vector_store %arg7[%swap3A, %swap3A_68], %swap3A_71 {strides = array<i32>} : memref<160x125xi32, #tpu.memory_space<vmem>>, vector<1x16xi32>,
      %get3A_72 = arith.index_cast %add3A_55 : i32 to index
      %get3A_73 = arith.constant 16 : index
      %get3A_74 = tpu.vector_load %arg7[%get3A_72, %get3A_73] {strides = array<i32>} : memref<160x125xi32, #tpu.memory_space<vmem>>, vector<1x16xi32>,
      %get3A_75 = vector.shape_cast %get3A_74 : vector<1x16xi32> to vector<16xi32>
      %mul3A_76 = arith.constant 2 : i32
      %mul3A_77 = vector.broadcast %mul3A_76 : i32 to vector<16xi32>
      %mul3A_78 = arith.muli %get3A_75, %mul3A_77 : vector<16xi32>
      %add3A_79 = vector.broadcast %arg0 : i32 to vector<16xi32>
      %add3A_80 = arith.addi %mul3A_78, %add3A_79 : vector<16xi32>
      %swap3A_81 = arith.index_cast %add3A_55 : i32 to index
      %swap3A_82 = arith.constant 16 : index
      %swap3A_83 = tpu.vector_load %arg7[%swap3A_81, %swap3A_82] {strides = array<i32>} : memref<160x125xi32, #tpu.memory_space<vmem>>, vector<1x16xi32>,
      %swap3A_84 = vector.shape_cast %swap3A_83 : vector<1x16xi32> to vector<16xi32>
      %swap3A_85 = vector.shape_cast %add3A_80 : vector<16xi32> to vector<1x16xi32>
      tpu.vector_store %arg7[%swap3A_81, %swap3A_82], %swap3A_85 {strides = array<i32>} : memref<160x125xi32, #tpu.memory_space<vmem>>, vector<1x16xi32>,
      %get3A_86 = arith.index_cast %add3A_55 : i32 to index
      %get3A_87 = arith.constant 32 : index
      %get3A_88 = tpu.vector_load %arg7[%get3A_86, %get3A_87] {strides = array<i32>} : memref<160x125xi32, #tpu.memory_space<vmem>>, vector<1x16xi32>,
      %get3A_89 = vector.shape_cast %get3A_88 : vector<1x16xi32> to vector<16xi32>
      %mul3A_90 = arith.constant 2 : i32
      %mul3A_91 = vector.broadcast %mul3A_90 : i32 to vector<16xi32>
      %mul3A_92 = arith.muli %get3A_89, %mul3A_91 : vector<16xi32>
      %add3A_93 = vector.broadcast %arg0 : i32 to vector<16xi32>
      %add3A_94 = arith.addi %mul3A_92, %add3A_93 : vector<16xi32>
      %swap3A_95 = arith.index_cast %add3A_55 : i32 to index
      %swap3A_96 = arith.constant 32 : index
      %swap3A_97 = tpu.vector_load %arg7[%swap3A_95, %swap3A_96] {strides = array<i32>} : memref<160x125xi32, #tpu.memory_space<vmem>>, vector<1x16xi32>,
      %swap3A_98 = vector.shape_cast %swap3A_97 : vector<1x16xi32> to vector<16xi32>
      %swap3A_99 = vector.shape_cast %add3A_94 : vector<16xi32> to vector<1x16xi32>
      tpu.vector_store %arg7[%swap3A_95, %swap3A_96], %swap3A_99 {strides = array<i32>} : memref<160x125xi32, #tpu.memory_space<vmem>>, vector<1x16xi32>,
      %get3A_100 = arith.index_cast %add3A_55 : i32 to index
      %get3A_101 = arith.constant 48 : index
      %get3A_102 = tpu.vector_load %arg7[%get3A_100, %get3A_101] {strides = array<i32>} : memref<160x125xi32, #tpu.memory_space<vmem>>, vector<1x16xi32>,
      %get3A_103 = vector.shape_cast %get3A_102 : vector<1x16xi32> to vector<16xi32>
      %mul3A_104 = arith.constant 2 : i32
      %mul3A_105 = vector.broadcast %mul3A_104 : i32 to vector<16xi32>
      %mul3A_106 = arith.muli %get3A_103, %mul3A_105 : vector<16xi32>
      %add3A_107 = vector.broadcast %arg0 : i32 to vector<16xi32>
      %add3A_108 = arith.addi %mul3A_106, %add3A_107 : vector<16xi32>
      %swap3A_109 = arith.index_cast %add3A_55 : i32 to index
      %swap3A_110 = arith.constant 48 : index
      %swap3A_111 = tpu.vector_load %arg7[%swap3A_109, %swap3A_110] {strides = array<i32>} : memref<160x125xi32, #tpu.memory_space<vmem>>, vector<1x16xi32>,
      %swap3A_112 = vector.shape_cast %swap3A_111 : vector<1x16xi32> to vector<16xi32>
      %swap3A_113 = vector.shape_cast %add3A_108 : vector<16xi32> to vector<1x16xi32>
      tpu.vector_store %arg7[%swap3A_109, %swap3A_110], %swap3A_113 {strides = array<i32>} : memref<160x125xi32, #tpu.memory_space<vmem>>, vector<1x16xi32>,
      %get3A_114 = arith.index_cast %add3A_55 : i32 to index
      %get3A_115 = arith.constant 64 : index
      %get3A_116 = tpu.vector_load %arg7[%get3A_114, %get3A_115] {strides = array<i32>} : memref<160x125xi32, #tpu.memory_space<vmem>>, vector<1x16xi32>,
      %get3A_117 = vector.shape_cast %get3A_116 : vector<1x16xi32> to vector<16xi32>
      %mul3A_118 = arith.constant 2 : i32
      %mul3A_119 = vector.broadcast %mul3A_118 : i32 to vector<16xi32>
      %mul3A_120 = arith.muli %get3A_117, %mul3A_119 : vector<16xi32>
      %add3A_121 = vector.broadcast %arg0 : i32 to vector<16xi32>
      %add3A_122 = arith.addi %mul3A_120, %add3A_121 : vector<16xi32>
      %swap3A_123 = arith.index_cast %add3A_55 : i32 to index
      %swap3A_124 = arith.constant 64 : index
      %swap3A_125 = tpu.vector_load %arg7[%swap3A_123, %swap3A_124] {strides = array<i32>} : memref<160x125xi32, #tpu.memory_space<vmem>>, vector<1x16xi32>,
      %swap3A_126 = vector.shape_cast %swap3A_125 : vector<1x16xi32> to vector<16xi32>
      %swap3A_127 = vector.shape_cast %add3A_122 : vector<16xi32> to vector<1x16xi32>
      tpu.vector_store %arg7[%swap3A_123, %swap3A_124], %swap3A_127 {strides = array<i32>} : memref<160x125xi32, #tpu.memory_space<vmem>>, vector<1x16xi32>,
      %get3A_128 = arith.index_cast %add3A_55 : i32 to index
      %get3A_129 = arith.constant 80 : index
      %get3A_130 = tpu.vector_load %arg7[%get3A_128, %get3A_129] {strides = array<i32>} : memref<160x125xi32, #tpu.memory_space<vmem>>, vector<1x16xi32>,
      %get3A_131 = vector.shape_cast %get3A_130 : vector<1x16xi32> to vector<16xi32>
      %mul3A_132 = arith.constant 2 : i32
      %mul3A_133 = vector.broadcast %mul3A_132 : i32 to vector<16xi32>
      %mul3A_134 = arith.muli %get3A_131, %mul3A_133 : vector<16xi32>
      %add3A_135 = vector.broadcast %arg0 : i32 to vector<16xi32>
      %add3A_136 = arith.addi %mul3A_134, %add3A_135 : vector<16xi32>
      %swap3A_137 = arith.index_cast %add3A_55 : i32 to index
      %swap3A_138 = arith.constant 80 : index
      %swap3A_139 = tpu.vector_load %arg7[%swap3A_137, %swap3A_138] {strides = array<i32>} : memref<160x125xi32, #tpu.memory_space<vmem>>, vector<1x16xi32>,
      %swap3A_140 = vector.shape_cast %swap3A_139 : vector<1x16xi32> to vector<16xi32>
      %swap3A_141 = vector.shape_cast %add3A_136 : vector<16xi32> to vector<1x16xi32>
      tpu.vector_store %arg7[%swap3A_137, %swap3A_138], %swap3A_141 {strides = array<i32>} : memref<160x125xi32, #tpu.memory_space<vmem>>, vector<1x16xi32>,
      %get3A_142 = arith.index_cast %add3A_55 : i32 to index
      %get3A_143 = arith.constant 96 : index
      %get3A_144 = tpu.vector_load %arg7[%get3A_142, %get3A_143] {strides = array<i32>} : memref<160x125xi32, #tpu.memory_space<vmem>>, vector<1x16xi32>,
      %get3A_145 = vector.shape_cast %get3A_144 : vector<1x16xi32> to vector<16xi32>
      %mul3A_146 = arith.constant 2 : i32
      %mul3A_147 = vector.broadcast %mul3A_146 : i32 to vector<16xi32>
      %mul3A_148 = arith.muli %get3A_145, %mul3A_147 : vector<16xi32>
      %add3A_149 = vector.broadcast %arg0 : i32 to vector<16xi32>
      %add3A_150 = arith.addi %mul3A_148, %add3A_149 : vector<16xi32>
      %swap3A_151 = arith.index_cast %add3A_55 : i32 to index
      %swap3A_152 = arith.constant 96 : index
      %swap3A_153 = tpu.vector_load %arg7[%swap3A_151, %swap3A_152] {strides = array<i32>} : memref<160x125xi32, #tpu.memory_space<vmem>>, vector<1x16xi32>,
      %swap3A_154 = vector.shape_cast %swap3A_153 : vector<1x16xi32> to vector<16xi32>
      %swap3A_155 = vector.shape_cast %add3A_150 : vector<16xi32> to vector<1x16xi32>
      tpu.vector_store %arg7[%swap3A_151, %swap3A_152], %swap3A_155 {strides = array<i32>} : memref<160x125xi32, #tpu.memory_space<vmem>>, vector<1x16xi32>,
      %mul3A_156 = arith.constant 2 : i32
      %mul3A_157 = vector.broadcast %mul3A_156 : i32 to vector<16xi32>
      %mul3A_158 = arith.muli %get3A_58, %mul3A_157 : vector<16xi32>
      %add3A_159 = vector.broadcast %arg0 : i32 to vector<16xi32>
      %add3A_160 = arith.addi %mul3A_158, %add3A_159 : vector<16xi32>
      %swap3A_161 = arith.index_cast %add3A_55 : i32 to index
      %swap3A_162 = arith.constant 109 : index
      %swap3A_163 = tpu.vector_load %arg7[%swap3A_161, %swap3A_162] {strides = array<i32>} : memref<160x125xi32, #tpu.memory_space<vmem>>, vector<1x16xi32>,
      %swap3A_164 = vector.shape_cast %swap3A_163 : vector<1x16xi32> to vector<16xi32>
      %swap3A_165 = vector.shape_cast %add3A_160 : vector<16xi32> to vector<1x16xi32>
      tpu.vector_store %arg7[%swap3A_161, %swap3A_162], %swap3A_165 {strides = array<i32>} : memref<160x125xi32, #tpu.memory_space<vmem>>, vector<1x16xi32>,
    }
    %scan3A_3 = arith.constant 160 : i32
    %scan3A_4 = arith.constant 0 : i32
    %scan3A_5 = arith.constant 125 : i32
    %scan3A_6 = arith.addi %scan3A_4, %scan3A_5 : i32
    %scan3A_7 = arith.constant 1 : i32
    scf.for %scan3A_51 = %scan3A_4 to %scan3A_6 step %scan3A_7  : i32 {
      %mul3A_52 = arith.constant 1 : i32
      %mul3A_53 = arith.muli %scan3A_51, %mul3A_52 : i32
      %add3A_54 = arith.constant 0 : i32
      %add3A_55 = arith.addi %add3A_54, %mul3A_53 : i32
      %broadcast_in_dim3A = arith.constant 0.000000e+00 : f32
      %broadcast_in_dim3A_56 = vector.broadcast %broadcast_in_dim3A : f32 to vector<16xf32>
      %swap3A = arith.constant 0 : i32
      %swap3A_57 = arith.index_cast %swap3A : i32 to index
      %swap3A_58 = arith.index_cast %add3A_55 : i32 to index
      %swap3A_59 = arith.constant 0 : index
      %swap3A_60 = tpu.vector_load %arg9[%swap3A_57, %swap3A_58, %swap3A_59] {strides = array<i32>} : memref<2x125x64xf32, #tpu.memory_space<vmem>>, vector<1x1x16xf32>,
      %swap3A_61 = vector.shape_cast %swap3A_60 : vector<1x1x16xf32> to vector<16xf32>
      %swap3A_62 = vector.shape_cast %broadcast_in_dim3A_56 : vector<16xf32> to vector<1x1x16xf32>
      tpu.vector_store %arg9[%swap3A_57, %swap3A_58, %swap3A_59], %swap3A_62 {strides = array<i32>} : memref<2x125x64xf32, #tpu.memory_space<vmem>>, vector<1x1x16xf32>,
      %broadcast_in_dim3A_63 = arith.constant 0.000000e+00 : f32
      %broadcast_in_dim3A_64 = vector.broadcast %broadcast_in_dim3A_63 : f32 to vector<16xf32>
      %swap3A_65 = arith.constant 0 : i32
      %swap3A_66 = arith.index_cast %swap3A_65 : i32 to index
      %swap3A_67 = arith.index_cast %add3A_55 : i32 to index
      %swap3A_68 = arith.constant 16 : index
      %swap3A_69 = tpu.vector_load %arg9[%swap3A_66, %swap3A_67, %swap3A_68] {strides = array<i32>} : memref<2x125x64xf32, #tpu.memory_space<vmem>>, vector<1x1x16xf32>,
      %swap3A_70 = vector.shape_cast %swap3A_69 : vector<1x1x16xf32> to vector<16xf32>
      %swap3A_71 = vector.shape_cast %broadcast_in_dim3A_64 : vector<16xf32> to vector<1x1x16xf32>
      tpu.vector_store %arg9[%swap3A_66, %swap3A_67, %swap3A_68], %swap3A_71 {strides = array<i32>} : memref<2x125x64xf32, #tpu.memory_space<vmem>>, vector<1x1x16xf32>,
      %broadcast_in_dim3A_72 = arith.constant 0.000000e+00 : f32
      %broadcast_in_dim3A_73 = vector.broadcast %broadcast_in_dim3A_72 : f32 to vector<16xf32>
      %swap3A_74 = arith.constant 0 : i32
      %swap3A_75 = arith.index_cast %swap3A_74 : i32 to index
      %swap3A_76 = arith.index_cast %add3A_55 : i32 to index
      %swap3A_77 = arith.constant 32 : index
      %swap3A_78 = tpu.vector_load %arg9[%swap3A_75, %swap3A_76, %swap3A_77] {strides = array<i32>} : memref<2x125x64xf32, #tpu.memory_space<vmem>>, vector<1x1x16xf32>,
      %swap3A_79 = vector.shape_cast %swap3A_78 : vector<1x1x16xf32> to vector<16xf32>
      %swap3A_80 = vector.shape_cast %broadcast_in_dim3A_73 : vector<16xf32> to vector<1x1x16xf32>
      tpu.vector_store %arg9[%swap3A_75, %swap3A_76, %swap3A_77], %swap3A_80 {strides = array<i32>} : memref<2x125x64xf32, #tpu.memory_space<vmem>>, vector<1x1x16xf32>,
      %broadcast_in_dim3A_81 = arith.constant 0.000000e+00 : f32
      %broadcast_in_dim3A_82 = vector.broadcast %broadcast_in_dim3A_81 : f32 to vector<16xf32>
      %swap3A_83 = arith.constant 0 : i32
      %swap3A_84 = arith.index_cast %swap3A_83 : i32 to index
      %swap3A_85 = arith.index_cast %add3A_55 : i32 to index
      %swap3A_86 = arith.constant 48 : index
      %swap3A_87 = tpu.vector_load %arg9[%swap3A_84, %swap3A_85, %swap3A_86] {strides = array<i32>} : memref<2x125x64xf32, #tpu.memory_space<vmem>>, vector<1x1x16xf32>,
      %swap3A_88 = vector.shape_cast %swap3A_87 : vector<1x1x16xf32> to vector<16xf32>
      %swap3A_89 = vector.shape_cast %broadcast_in_dim3A_82 : vector<16xf32> to vector<1x1x16xf32>
      tpu.vector_store %arg9[%swap3A_84, %swap3A_85, %swap3A_86], %swap3A_89 {strides = array<i32>} : memref<2x125x64xf32, #tpu.memory_space<vmem>>, vector<1x1x16xf32>,
    }
    %scan3A_8 = arith.constant 125 : i32
    %scan3A_9 = arith.constant 0 : i32
    %scan3A_10 = arith.constant 64 : i32
    %scan3A_11 = arith.addi %scan3A_9, %scan3A_10 : i32
    %scan3A_12 = arith.constant 1 : i32
    scf.for %scan3A_51 = %scan3A_9 to %scan3A_11 step %scan3A_12  : i32 {
      %mul3A_52 = arith.constant 1 : i32
      %mul3A_53 = arith.muli %scan3A_51, %mul3A_52 : i32
      %add3A_54 = arith.constant 0 : i32
      %add3A_55 = arith.addi %add3A_54, %mul3A_53 : i32
      %broadcast_in_dim3A = arith.constant 0.000000e+00 : f32
      %broadcast_in_dim3A_56 = vector.broadcast %broadcast_in_dim3A : f32 to vector<16xf32>
      %swap3A = arith.index_cast %add3A_55 : i32 to index
      %swap3A_57 = arith.constant 0 : index
      %swap3A_58 = tpu.vector_load %arg10[%swap3A, %swap3A_57] {strides = array<i32>} : memref<64x16xf32, #tpu.memory_space<vmem>>, vector<1x16xf32>,
      %swap3A_59 = vector.shape_cast %swap3A_58 : vector<1x16xf32> to vector<16xf32>
      %swap3A_60 = vector.shape_cast %broadcast_in_dim3A_56 : vector<16xf32> to vector<1x16xf32>
      tpu.vector_store %arg10[%swap3A, %swap3A_57], %swap3A_60 {strides = array<i32>} : memref<64x16xf32, #tpu.memory_space<vmem>>, vector<1x16xf32>,
    }
    %scan3A_13 = arith.constant 64 : i32
    %scan3A_14 = arith.constant 0 : i32
    %scan3A_15 = arith.constant 125 : i32
    %scan3A_16 = arith.addi %scan3A_14, %scan3A_15 : i32
    %scan3A_17 = arith.constant 1 : i32
    scf.for %scan3A_51 = %scan3A_14 to %scan3A_16 step %scan3A_17  : i32 {
      %mul3A_52 = arith.constant 1 : i32
      %mul3A_53 = arith.muli %scan3A_51, %mul3A_52 : i32
      %add3A_54 = arith.constant 0 : i32
      %add3A_55 = arith.addi %add3A_54, %mul3A_53 : i32
      %broadcast_in_dim3A = arith.constant 1.000000e+00 : f32
      %broadcast_in_dim3A_56 = vector.broadcast %broadcast_in_dim3A : f32 to vector<16xf32>
      %swap3A = arith.index_cast %add3A_55 : i32 to index
      %swap3A_57 = arith.constant 0 : index
      %swap3A_58 = tpu.vector_load %arg11[%swap3A, %swap3A_57] {strides = array<i32>} : memref<125x16xf32, #tpu.memory_space<vmem>>, vector<1x16xf32>,
      %swap3A_59 = vector.shape_cast %swap3A_58 : vector<1x16xf32> to vector<16xf32>
      %swap3A_60 = vector.shape_cast %broadcast_in_dim3A_56 : vector<16xf32> to vector<1x16xf32>
      tpu.vector_store %arg11[%swap3A, %swap3A_57], %swap3A_60 {strides = array<i32>} : memref<125x16xf32, #tpu.memory_space<vmem>>, vector<1x16xf32>,
    }
    %scan3A_18 = arith.constant 125 : i32
    %mul3A = arith.constant 640 : i32
    %mul3A_19 = arith.muli %arg1, %mul3A : i32
    %scan3A_20 = arith.constant 0 : i32
    %scan3A_21 = arith.constant 5 : i32
    %scan3A_22 = arith.addi %scan3A_20, %scan3A_21 : i32
    %scan3A_23 = arith.constant 1 : i32
    scf.for %scan3A_51 = %scan3A_20 to %scan3A_22 step %scan3A_23  : i32 {
      %mul3A_52 = arith.constant 1 : i32
      %mul3A_53 = arith.muli %scan3A_51, %mul3A_52 : i32
      %add3A_54 = arith.constant 0 : i32
      %add3A_55 = arith.addi %add3A_54, %mul3A_53 : i32
      %mul3A_56 = arith.constant 125 : i32
      %mul3A_57 = arith.muli %add3A_55, %mul3A_56 : i32
      %add3A_58 = arith.addi %mul3A_19, %mul3A_57 : i32
      %run_scoped3A_59 = arith.constant 0 : i32
      "tpu.region"() ({
        %run_scoped3A_60 = tpu.sem_alloc : memref<!tpu.dma_semaphore, #tpu.memory_space<semaphore_mem>>
        %dma_start3A_61 = arith.constant 0 : i32
        %dma_start3A_62 = arith.constant 0 : i32
        %dma_start3A_63 = tpu.memref_slice %arg9[%run_scoped3A_59, %dma_start3A_61, %dma_start3A_62] : memref<2x125x64xf32, #tpu.memory_space<vmem>> -> memref<1x125x64xf32, #tpu.memory_space<vmem>>
        %dma_start3A_64 = tpu.memref_squeeze %dma_start3A_63 : memref<1x125x64xf32, #tpu.memory_space<vmem>> -> memref<125x64xf32, #tpu.memory_space<vmem>>
        %dma_start3A_65 = arith.constant 0 : i32
        %dma_start3A_66 = tpu.memref_slice %arg12[%add3A_58, %dma_start3A_65] : memref<10240x64xf32, #tpu.memory_space<vmem_shared>> -> memref<125x64xf32, #tpu.memory_space<vmem_shared>>
        %dma_start3A_67 = arith.constant 0 : i32
        %dma_start3A_68 = tpu.memref_slice %arg12[%add3A_58, %dma_start3A_67] : memref<10240x64xf32, #tpu.memory_space<vmem_shared>> -> memref<125x64xf32, #tpu.memory_space<vmem_shared>>
        %dma_start3A_69 = arith.constant 0 : i32
        %dma_start3A_70 = arith.constant 0 : i32
        %dma_start3A_71 = tpu.memref_slice %arg9[%run_scoped3A_59, %dma_start3A_69, %dma_start3A_70] : memref<2x125x64xf32, #tpu.memory_space<vmem>> -> memref<1x125x64xf32, #tpu.memory_space<vmem>>
        %dma_start3A_72 = tpu.memref_squeeze %dma_start3A_71 : memref<1x125x64xf32, #tpu.memory_space<vmem>> -> memref<125x64xf32, #tpu.memory_space<vmem>>
        tpu.enqueue_dma source(%dma_start3A_72 : memref<125x64xf32, #tpu.memory_space<vmem>>) target(%dma_start3A_68 : memref<125x64xf32, #tpu.memory_space<vmem_shared>>) target_semaphore(%run_scoped3A_60 : memref<!tpu.dma_semaphore, #tpu.memory_space<semaphore_mem>>)
        %dma_wait3A = arith.constant 0 : i32
        %dma_wait3A_73 = arith.constant 0 : i32
        %dma_wait3A_74 = tpu.memref_slice %arg9[%run_scoped3A_59, %dma_wait3A, %dma_wait3A_73] : memref<2x125x64xf32, #tpu.memory_space<vmem>> -> memref<1x125x64xf32, #tpu.memory_space<vmem>>
        %dma_wait3A_75 = tpu.memref_squeeze %dma_wait3A_74 : memref<1x125x64xf32, #tpu.memory_space<vmem>> -> memref<125x64xf32, #tpu.memory_space<vmem>>
        %dma_wait3A_76 = arith.constant 0 : i32
        %dma_wait3A_77 = tpu.memref_slice %arg12[%add3A_58, %dma_wait3A_76] : memref<10240x64xf32, #tpu.memory_space<vmem_shared>> -> memref<125x64xf32, #tpu.memory_space<vmem_shared>>
        %dma_wait3A_78 = arith.constant 0 : i32
        %dma_wait3A_79 = tpu.memref_slice %arg12[%add3A_58, %dma_wait3A_78] : memref<10240x64xf32, #tpu.memory_space<vmem_shared>> -> memref<125x64xf32, #tpu.memory_space<vmem_shared>>
        %dma_wait3A_80 = arith.constant 0 : i32
        %dma_wait3A_81 = arith.constant 0 : i32
        %dma_wait3A_82 = tpu.memref_slice %arg9[%run_scoped3A_59, %dma_wait3A_80, %dma_wait3A_81] : memref<2x125x64xf32, #tpu.memory_space<vmem>> -> memref<1x125x64xf32, #tpu.memory_space<vmem>>
        %dma_wait3A_83 = tpu.memref_squeeze %dma_wait3A_82 : memref<1x125x64xf32, #tpu.memory_space<vmem>> -> memref<125x64xf32, #tpu.memory_space<vmem>>
        tpu.wait_dma2 semaphore(%run_scoped3A_60 : memref<!tpu.dma_semaphore, #tpu.memory_space<semaphore_mem>>) src(%dma_wait3A_83 : memref<125x64xf32, #tpu.memory_space<vmem>>) dst(%dma_wait3A_79 : memref<125x64xf32, #tpu.memory_space<vmem_shared>>)
        tpu.yield
      }) : () -> ()
    }
    %scan3A_24 = arith.constant 5 : i32
    %add3A = arith.constant 625 : i32
    %add3A_25 = arith.addi %mul3A_19, %add3A : i32
    %run_scoped3A = arith.constant 0 : i32
    "tpu.region"() ({
      %run_scoped3A_51 = tpu.sem_alloc : memref<!tpu.dma_semaphore, #tpu.memory_space<semaphore_mem>>
      %dma_start3A_52 = arith.constant 0 : i32
      %dma_start3A_53 = arith.constant 0 : i32
      %dma_start3A_54 = tpu.memref_slice %arg9[%run_scoped3A, %dma_start3A_52, %dma_start3A_53] : memref<2x125x64xf32, #tpu.memory_space<vmem>> -> memref<1x15x64xf32, #tpu.memory_space<vmem>>
      %dma_start3A_55 = tpu.memref_squeeze %dma_start3A_54 : memref<1x15x64xf32, #tpu.memory_space<vmem>> -> memref<15x64xf32, #tpu.memory_space<vmem>>
      %dma_start3A_56 = arith.constant 0 : i32
      %dma_start3A_57 = tpu.memref_slice %arg12[%add3A_25, %dma_start3A_56] : memref<10240x64xf32, #tpu.memory_space<vmem_shared>> -> memref<15x64xf32, #tpu.memory_space<vmem_shared>>
      %dma_start3A_58 = arith.constant 0 : i32
      %dma_start3A_59 = tpu.memref_slice %arg12[%add3A_25, %dma_start3A_58] : memref<10240x64xf32, #tpu.memory_space<vmem_shared>> -> memref<15x64xf32, #tpu.memory_space<vmem_shared>>
      %dma_start3A_60 = arith.constant 0 : i32
      %dma_start3A_61 = arith.constant 0 : i32
      %dma_start3A_62 = tpu.memref_slice %arg9[%run_scoped3A, %dma_start3A_60, %dma_start3A_61] : memref<2x125x64xf32, #tpu.memory_space<vmem>> -> memref<1x15x64xf32, #tpu.memory_space<vmem>>
      %dma_start3A_63 = tpu.memref_squeeze %dma_start3A_62 : memref<1x15x64xf32, #tpu.memory_space<vmem>> -> memref<15x64xf32, #tpu.memory_space<vmem>>
      tpu.enqueue_dma source(%dma_start3A_63 : memref<15x64xf32, #tpu.memory_space<vmem>>) target(%dma_start3A_59 : memref<15x64xf32, #tpu.memory_space<vmem_shared>>) target_semaphore(%run_scoped3A_51 : memref<!tpu.dma_semaphore, #tpu.memory_space<semaphore_mem>>)
      %dma_wait3A = arith.constant 0 : i32
      %dma_wait3A_64 = arith.constant 0 : i32
      %dma_wait3A_65 = tpu.memref_slice %arg9[%run_scoped3A, %dma_wait3A, %dma_wait3A_64] : memref<2x125x64xf32, #tpu.memory_space<vmem>> -> memref<1x15x64xf32, #tpu.memory_space<vmem>>
      %dma_wait3A_66 = tpu.memref_squeeze %dma_wait3A_65 : memref<1x15x64xf32, #tpu.memory_space<vmem>> -> memref<15x64xf32, #tpu.memory_space<vmem>>
      %dma_wait3A_67 = arith.constant 0 : i32
      %dma_wait3A_68 = tpu.memref_slice %arg12[%add3A_25, %dma_wait3A_67] : memref<10240x64xf32, #tpu.memory_space<vmem_shared>> -> memref<15x64xf32, #tpu.memory_space<vmem_shared>>
      %dma_wait3A_69 = arith.constant 0 : i32
      %dma_wait3A_70 = tpu.memref_slice %arg12[%add3A_25, %dma_wait3A_69] : memref<10240x64xf32, #tpu.memory_space<vmem_shared>> -> memref<15x64xf32, #tpu.memory_space<vmem_shared>>
      %dma_wait3A_71 = arith.constant 0 : i32
      %dma_wait3A_72 = arith.constant 0 : i32
      %dma_wait3A_73 = tpu.memref_slice %arg9[%run_scoped3A, %dma_wait3A_71, %dma_wait3A_72] : memref<2x125x64xf32, #tpu.memory_space<vmem>> -> memref<1x15x64xf32, #tpu.memory_space<vmem>>
      %dma_wait3A_74 = tpu.memref_squeeze %dma_wait3A_73 : memref<1x15x64xf32, #tpu.memory_space<vmem>> -> memref<15x64xf32, #tpu.memory_space<vmem>>
      tpu.wait_dma2 semaphore(%run_scoped3A_51 : memref<!tpu.dma_semaphore, #tpu.memory_space<semaphore_mem>>) src(%dma_wait3A_74 : memref<15x64xf32, #tpu.memory_space<vmem>>) dst(%dma_wait3A_70 : memref<15x64xf32, #tpu.memory_space<vmem_shared>>)
      tpu.yield
    }) : () -> ()
    %scan3A_26 = arith.constant 0 : i32
    %scan3A_27 = arith.constant 10 : i32
    %scan3A_28 = arith.addi %scan3A_26, %scan3A_27 : i32
    %scan3A_29 = arith.constant 1 : i32
    scf.for %scan3A_51 = %scan3A_26 to %scan3A_28 step %scan3A_29  : i32 {
      %mul3A_52 = arith.constant 1 : i32
      %mul3A_53 = arith.muli %scan3A_51, %mul3A_52 : i32
      %add3A_54 = arith.constant 0 : i32
      %add3A_55 = arith.addi %add3A_54, %mul3A_53 : i32
      %mul3A_56 = arith.constant 64 : i32
      %mul3A_57 = arith.muli %add3A_55, %mul3A_56 : i32
      %add3A_58 = arith.addi %mul3A_19, %mul3A_57 : i32
      "tpu.region"() ({
        %run_scoped3A_59 = tpu.sem_alloc : memref<!tpu.dma_semaphore, #tpu.memory_space<semaphore_mem>>
        %dma_start3A_60 = arith.constant 0 : i32
        %dma_start3A_61 = tpu.memref_slice %arg13[%add3A_58, %dma_start3A_60] : memref<10240x16xf32, #tpu.memory_space<vmem_shared>> -> memref<64x16xf32, #tpu.memory_space<vmem_shared>>
        %dma_start3A_62 = arith.constant 0 : i32
        %dma_start3A_63 = tpu.memref_slice %arg13[%add3A_58, %dma_start3A_62] : memref<10240x16xf32, #tpu.memory_space<vmem_shared>> -> memref<64x16xf32, #tpu.memory_space<vmem_shared>>
        tpu.enqueue_dma source(%arg10 : memref<64x16xf32, #tpu.memory_space<vmem>>) target(%dma_start3A_63 : memref<64x16xf32, #tpu.memory_space<vmem_shared>>) target_semaphore(%run_scoped3A_59 : memref<!tpu.dma_semaphore, #tpu.memory_space<semaphore_mem>>)
        %dma_wait3A = arith.constant 0 : i32
        %dma_wait3A_64 = tpu.memref_slice %arg13[%add3A_58, %dma_wait3A] : memref<10240x16xf32, #tpu.memory_space<vmem_shared>> -> memref<64x16xf32, #tpu.memory_space<vmem_shared>>
        %dma_wait3A_65 = arith.constant 0 : i32
        %dma_wait3A_66 = tpu.memref_slice %arg13[%add3A_58, %dma_wait3A_65] : memref<10240x16xf32, #tpu.memory_space<vmem_shared>> -> memref<64x16xf32, #tpu.memory_space<vmem_shared>>
        tpu.wait_dma2 semaphore(%run_scoped3A_59 : memref<!tpu.dma_semaphore, #tpu.memory_space<semaphore_mem>>) src(%arg10 : memref<64x16xf32, #tpu.memory_space<vmem>>) dst(%dma_wait3A_66 : memref<64x16xf32, #tpu.memory_space<vmem_shared>>)
        tpu.yield
      }) : () -> ()
    }
    %scan3A_30 = arith.constant 10 : i32
    %barrier3A = arith.constant 0 : index
    tpu.barrier barrier_id(%barrier3A)
    %dma_start3A = arith.constant 0 : i32
    %dma_start3A_31 = arith.constant 0 : i32
    %dma_start3A_32 = arith.constant 0 : i32
    %dma_start3A_33 = arith.constant 0 : i32
    %dma_start3A_34 = arith.constant 0 : i32
    %dma_start3A_35 = tpu.memref_slice %arg9[%dma_start3A_31, %dma_start3A_33, %dma_start3A_34] : memref<2x125x64xf32, #tpu.memory_space<vmem>> -> memref<1x125x64xf32, #tpu.memory_space<vmem>>
    %dma_start3A_36 = tpu.memref_squeeze %dma_start3A_35 : memref<1x125x64xf32, #tpu.memory_space<vmem>> -> memref<125x64xf32, #tpu.memory_space<vmem>>
    %dma_start3A_37 = arith.constant 0 : i32
    %dma_start3A_38 = tpu.memref_slice %arg7[%dma_start3A, %dma_start3A_37] : memref<160x125xi32, #tpu.memory_space<vmem>> -> memref<1x125xi32, #tpu.memory_space<vmem>>
    %dma_start3A_39 = tpu.memref_squeeze %dma_start3A_38 : memref<1x125xi32, #tpu.memory_space<vmem>> -> memref<125xi32, #tpu.memory_space<vmem>>
    %dma_start3A_40 = arith.constant 0 : i32
    %dma_start3A_41 = arith.constant 0 : i32
    %dma_start3A_42 = tpu.memref_slice %arg2[%dma_start3A_40, %dma_start3A_41] : memref<20000x64xf32, #tpu.memory_space<hbm>> -> memref<20000x64xf32, #tpu.memory_space<hbm>>
    %dma_start3A_43 = tpu.memref_slice %arg14[%dma_start3A_32] : memref<2x!tpu.dma_semaphore, #tpu.memory_space<semaphore_mem>> -> memref<1x!tpu.dma_semaphore, #tpu.memory_space<semaphore_mem>>
    %dma_start3A_44 = tpu.memref_squeeze %dma_start3A_43 : memref<1x!tpu.dma_semaphore, #tpu.memory_space<semaphore_mem>> -> memref<!tpu.dma_semaphore, #tpu.memory_space<semaphore_mem>>
    tpu.enqueue_indirect_dma source(%dma_start3A_42 : memref<20000x64xf32, #tpu.memory_space<hbm>>) target(%dma_start3A_36 : memref<125x64xf32, #tpu.memory_space<vmem>>) offsets(%dma_start3A_39 : memref<125xi32, #tpu.memory_space<vmem>>) semaphore(%dma_start3A_44 : memref<!tpu.dma_semaphore, #tpu.memory_space<semaphore_mem>>)
    %scan3A_45 = arith.constant 0 : i32
    %scan3A_46 = arith.constant 80 : i32
    %scan3A_47 = arith.addi %scan3A_45, %scan3A_46 : i32
    %scan3A_48 = arith.constant 1 : i32
    scf.for %scan3A_51 = %scan3A_45 to %scan3A_47 step %scan3A_48  : i32 {
      %mul3A_52 = arith.constant 2 : i32
      %mul3A_53 = arith.muli %scan3A_51, %mul3A_52 : i32
      %add3A_54 = arith.constant 0 : i32
      %add3A_55 = arith.addi %add3A_54, %mul3A_53 : i32
      %add3A_56 = arith.constant 0 : i32
      %add3A_57 = arith.addi %add3A_55, %add3A_56 : i32
      %dma_wait3A = arith.constant 0 : i32
      %dma_wait3A_58 = arith.constant 0 : i32
      %dma_wait3A_59 = arith.constant 0 : i32
      %dma_wait3A_60 = arith.constant 0 : i32
      %dma_wait3A_61 = tpu.memref_slice %arg9[%dma_wait3A, %dma_wait3A_59, %dma_wait3A_60] : memref<2x125x64xf32, #tpu.memory_space<vmem>> -> memref<1x125x64xf32, #tpu.memory_space<vmem>>
      %dma_wait3A_62 = tpu.memref_squeeze %dma_wait3A_61 : memref<1x125x64xf32, #tpu.memory_space<vmem>> -> memref<125x64xf32, #tpu.memory_space<vmem>>
      %dma_wait3A_63 = arith.constant 0 : i32
      %dma_wait3A_64 = tpu.memref_slice %arg7[%add3A_57, %dma_wait3A_63] : memref<160x125xi32, #tpu.memory_space<vmem>> -> memref<1x125xi32, #tpu.memory_space<vmem>>
      %dma_wait3A_65 = tpu.memref_squeeze %dma_wait3A_64 : memref<1x125xi32, #tpu.memory_space<vmem>> -> memref<125xi32, #tpu.memory_space<vmem>>
      %dma_wait3A_66 = arith.constant 0 : i32
      %dma_wait3A_67 = arith.constant 0 : i32
      %dma_wait3A_68 = tpu.memref_slice %arg2[%dma_wait3A_66, %dma_wait3A_67] : memref<20000x64xf32, #tpu.memory_space<hbm>> -> memref<20000x64xf32, #tpu.memory_space<hbm>>
      %dma_wait3A_69 = tpu.memref_slice %arg14[%dma_wait3A_58] : memref<2x!tpu.dma_semaphore, #tpu.memory_space<semaphore_mem>> -> memref<1x!tpu.dma_semaphore, #tpu.memory_space<semaphore_mem>>
      %dma_wait3A_70 = tpu.memref_squeeze %dma_wait3A_69 : memref<1x!tpu.dma_semaphore, #tpu.memory_space<semaphore_mem>> -> memref<!tpu.dma_semaphore, #tpu.memory_space<semaphore_mem>>
      tpu.wait_indirect_dma semaphore(%dma_wait3A_70 : memref<!tpu.dma_semaphore, #tpu.memory_space<semaphore_mem>>) src(%dma_wait3A_68 : memref<20000x64xf32, #tpu.memory_space<hbm>>) dst(%dma_wait3A_62 : memref<125x64xf32, #tpu.memory_space<vmem>>)
      %add3A_71 = arith.constant 1 : i32
      %add3A_72 = arith.addi %add3A_57, %add3A_71 : i32
      %lt3A = arith.constant 160 : i32
      %lt3A_73 = arith.cmpi slt, %add3A_72, %lt3A : i32
      %convert_element_type3A = arith.extui %lt3A_73 : i1 to i32
      %cond3A = arith.constant 0 : i32
      %cond3A_74 = arith.cmpi ne, %convert_element_type3A, %cond3A : i32
      scf.if %cond3A_74 {
        %add3A_119 = arith.constant 1 : i32
        %add3A_120 = arith.addi %add3A_57, %add3A_119 : i32
        %dma_start3A_121 = arith.constant 1 : i32
        %dma_start3A_122 = arith.constant 1 : i32
        %dma_start3A_123 = arith.constant 0 : i32
        %dma_start3A_124 = arith.constant 0 : i32
        %dma_start3A_125 = tpu.memref_slice %arg9[%dma_start3A_121, %dma_start3A_123, %dma_start3A_124] : memref<2x125x64xf32, #tpu.memory_space<vmem>> -> memref<1x125x64xf32, #tpu.memory_space<vmem>>
        %dma_start3A_126 = tpu.memref_squeeze %dma_start3A_125 : memref<1x125x64xf32, #tpu.memory_space<vmem>> -> memref<125x64xf32, #tpu.memory_space<vmem>>
        %dma_start3A_127 = arith.constant 0 : i32
        %dma_start3A_128 = tpu.memref_slice %arg7[%add3A_120, %dma_start3A_127] : memref<160x125xi32, #tpu.memory_space<vmem>> -> memref<1x125xi32, #tpu.memory_space<vmem>>
        %dma_start3A_129 = tpu.memref_squeeze %dma_start3A_128 : memref<1x125xi32, #tpu.memory_space<vmem>> -> memref<125xi32, #tpu.memory_space<vmem>>
        %dma_start3A_130 = arith.constant 0 : i32
        %dma_start3A_131 = arith.constant 0 : i32
        %dma_start3A_132 = tpu.memref_slice %arg2[%dma_start3A_130, %dma_start3A_131] : memref<20000x64xf32, #tpu.memory_space<hbm>> -> memref<20000x64xf32, #tpu.memory_space<hbm>>
        %dma_start3A_133 = tpu.memref_slice %arg14[%dma_start3A_122] : memref<2x!tpu.dma_semaphore, #tpu.memory_space<semaphore_mem>> -> memref<1x!tpu.dma_semaphore, #tpu.memory_space<semaphore_mem>>
        %dma_start3A_134 = tpu.memref_squeeze %dma_start3A_133 : memref<1x!tpu.dma_semaphore, #tpu.memory_space<semaphore_mem>> -> memref<!tpu.dma_semaphore, #tpu.memory_space<semaphore_mem>>
        tpu.enqueue_indirect_dma source(%dma_start3A_132 : memref<20000x64xf32, #tpu.memory_space<hbm>>) target(%dma_start3A_126 : memref<125x64xf32, #tpu.memory_space<vmem>>) offsets(%dma_start3A_129 : memref<125xi32, #tpu.memory_space<vmem>>) semaphore(%dma_start3A_134 : memref<!tpu.dma_semaphore, #tpu.memory_space<semaphore_mem>>)
      } else {
      }
      %run_scoped3A_75 = arith.constant 0 : i32
      "tpu.region"() ({
        %run_scoped3A_119 = tpu.sem_alloc : memref<!tpu.dma_semaphore, #tpu.memory_space<semaphore_mem>>
        %dma_start3A_120 = arith.constant 0 : i32
        %dma_start3A_121 = arith.constant 0 : i32
        %dma_start3A_122 = tpu.memref_slice %arg9[%run_scoped3A_75, %dma_start3A_120, %dma_start3A_121] : memref<2x125x64xf32, #tpu.memory_space<vmem>> -> memref<1x125x64xf32, #tpu.memory_space<vmem>>
        %dma_start3A_123 = tpu.memref_squeeze %dma_start3A_122 : memref<1x125x64xf32, #tpu.memory_space<vmem>> -> memref<125x64xf32, #tpu.memory_space<vmem>>
        %dma_start3A_124 = arith.constant 0 : i32
        %dma_start3A_125 = tpu.memref_slice %arg8[%add3A_57, %dma_start3A_124] : memref<160x125xi32, #tpu.memory_space<vmem>> -> memref<1x125xi32, #tpu.memory_space<vmem>>
        %dma_start3A_126 = tpu.memref_squeeze %dma_start3A_125 : memref<1x125xi32, #tpu.memory_space<vmem>> -> memref<125xi32, #tpu.memory_space<vmem>>
        %dma_start3A_127 = arith.constant 0 : i32
        %dma_start3A_128 = arith.constant 0 : i32
        %dma_start3A_129 = tpu.memref_slice %arg12[%dma_start3A_127, %dma_start3A_128] : memref<10240x64xf32, #tpu.memory_space<vmem_shared>> -> memref<10240x64xf32, #tpu.memory_space<vmem_shared>>
        tpu.enqueue_indirect_dma source(%dma_start3A_123 : memref<125x64xf32, #tpu.memory_space<vmem>>) target(%dma_start3A_129 : memref<10240x64xf32, #tpu.memory_space<vmem_shared>>) offsets(%dma_start3A_126 : memref<125xi32, #tpu.memory_space<vmem>>) semaphore(%run_scoped3A_119 : memref<!tpu.dma_semaphore, #tpu.memory_space<semaphore_mem>>) {add = true}
        %dma_wait3A_130 = arith.constant 0 : i32
        %dma_wait3A_131 = arith.constant 0 : i32
        %dma_wait3A_132 = tpu.memref_slice %arg9[%run_scoped3A_75, %dma_wait3A_130, %dma_wait3A_131] : memref<2x125x64xf32, #tpu.memory_space<vmem>> -> memref<1x125x64xf32, #tpu.memory_space<vmem>>
        %dma_wait3A_133 = tpu.memref_squeeze %dma_wait3A_132 : memref<1x125x64xf32, #tpu.memory_space<vmem>> -> memref<125x64xf32, #tpu.memory_space<vmem>>
        %dma_wait3A_134 = arith.constant 0 : i32
        %dma_wait3A_135 = tpu.memref_slice %arg8[%add3A_57, %dma_wait3A_134] : memref<160x125xi32, #tpu.memory_space<vmem>> -> memref<1x125xi32, #tpu.memory_space<vmem>>
        %dma_wait3A_136 = tpu.memref_squeeze %dma_wait3A_135 : memref<1x125xi32, #tpu.memory_space<vmem>> -> memref<125xi32, #tpu.memory_space<vmem>>
        %dma_wait3A_137 = arith.constant 0 : i32
        %dma_wait3A_138 = arith.constant 0 : i32
        %dma_wait3A_139 = tpu.memref_slice %arg12[%dma_wait3A_137, %dma_wait3A_138] : memref<10240x64xf32, #tpu.memory_space<vmem_shared>> -> memref<10240x64xf32, #tpu.memory_space<vmem_shared>>
        tpu.wait_indirect_dma semaphore(%run_scoped3A_119 : memref<!tpu.dma_semaphore, #tpu.memory_space<semaphore_mem>>) src(%dma_wait3A_133 : memref<125x64xf32, #tpu.memory_space<vmem>>) dst(%dma_wait3A_139 : memref<10240x64xf32, #tpu.memory_space<vmem_shared>>)
        tpu.yield
      }) : () -> ()
      %lt3A_76 = arith.constant 80 : i32
      %lt3A_77 = arith.cmpi slt, %add3A_57, %lt3A_76 : i32
      %eq3A = arith.constant 0 : i32
      %eq3A_78 = arith.cmpi eq, %arg0, %eq3A : i32
      %eq3A_79 = arith.xori %lt3A_77, %eq3A_78 : i1
      %eq3A_80 = arith.constant true
      %eq3A_81 = arith.xori %eq3A_79, %eq3A_80 : i1
      %convert_element_type3A_82 = arith.extui %eq3A_81 : i1 to i32
      %cond3A_83 = arith.constant 0 : i32
      %cond3A_84 = arith.cmpi ne, %convert_element_type3A_82, %cond3A_83 : i32
      scf.if %cond3A_84 {
        "tpu.region"() ({
          %run_scoped3A_119 = tpu.sem_alloc : memref<!tpu.dma_semaphore, #tpu.memory_space<semaphore_mem>>
          %dma_start3A_120 = arith.constant 0 : i32
          %dma_start3A_121 = tpu.memref_slice %arg8[%add3A_57, %dma_start3A_120] : memref<160x125xi32, #tpu.memory_space<vmem>> -> memref<1x125xi32, #tpu.memory_space<vmem>>
          %dma_start3A_122 = tpu.memref_squeeze %dma_start3A_121 : memref<1x125xi32, #tpu.memory_space<vmem>> -> memref<125xi32, #tpu.memory_space<vmem>>
          %dma_start3A_123 = arith.constant 0 : i32
          %dma_start3A_124 = arith.constant 0 : i32
          %dma_start3A_125 = tpu.memref_slice %arg13[%dma_start3A_123, %dma_start3A_124] : memref<10240x16xf32, #tpu.memory_space<vmem_shared>> -> memref<10240x16xf32, #tpu.memory_space<vmem_shared>>
          tpu.enqueue_indirect_dma source(%arg11 : memref<125x16xf32, #tpu.memory_space<vmem>>) target(%dma_start3A_125 : memref<10240x16xf32, #tpu.memory_space<vmem_shared>>) offsets(%dma_start3A_122 : memref<125xi32, #tpu.memory_space<vmem>>) semaphore(%run_scoped3A_119 : memref<!tpu.dma_semaphore, #tpu.memory_space<semaphore_mem>>) {add = true}
          %dma_wait3A_126 = arith.constant 0 : i32
          %dma_wait3A_127 = tpu.memref_slice %arg8[%add3A_57, %dma_wait3A_126] : memref<160x125xi32, #tpu.memory_space<vmem>> -> memref<1x125xi32, #tpu.memory_space<vmem>>
          %dma_wait3A_128 = tpu.memref_squeeze %dma_wait3A_127 : memref<1x125xi32, #tpu.memory_space<vmem>> -> memref<125xi32, #tpu.memory_space<vmem>>
          %dma_wait3A_129 = arith.constant 0 : i32
          %dma_wait3A_130 = arith.constant 0 : i32
          %dma_wait3A_131 = tpu.memref_slice %arg13[%dma_wait3A_129, %dma_wait3A_130] : memref<10240x16xf32, #tpu.memory_space<vmem_shared>> -> memref<10240x16xf32, #tpu.memory_space<vmem_shared>>
          tpu.wait_indirect_dma semaphore(%run_scoped3A_119 : memref<!tpu.dma_semaphore, #tpu.memory_space<semaphore_mem>>) src(%arg11 : memref<125x16xf32, #tpu.memory_space<vmem>>) dst(%dma_wait3A_131 : memref<10240x16xf32, #tpu.memory_space<vmem_shared>>)
          tpu.yield
        }) : () -> ()
      } else {
      }
      %add3A_85 = arith.constant 1 : i32
      %add3A_86 = arith.addi %add3A_55, %add3A_85 : i32
      %dma_wait3A_87 = arith.constant 1 : i32
      %dma_wait3A_88 = arith.constant 1 : i32
      %dma_wait3A_89 = arith.constant 0 : i32
      %dma_wait3A_90 = arith.constant 0 : i32
      %dma_wait3A_91 = tpu.memref_slice %arg9[%dma_wait3A_87, %dma_wait3A_89, %dma_wait3A_90] : memref<2x125x64xf32, #tpu.memory_space<vmem>> -> memref<1x125x64xf32, #tpu.memory_space<vmem>>
      %dma_wait3A_92 = tpu.memref_squeeze %dma_wait3A_91 : memref<1x125x64xf32, #tpu.memory_space<vmem>> -> memref<125x64xf32, #tpu.memory_space<vmem>>
      %dma_wait3A_93 = arith.constant 0 : i32
      %dma_wait3A_94 = tpu.memref_slice %arg7[%add3A_86, %dma_wait3A_93] : memref<160x125xi32, #tpu.memory_space<vmem>> -> memref<1x125xi32, #tpu.memory_space<vmem>>
      %dma_wait3A_95 = tpu.memref_squeeze %dma_wait3A_94 : memref<1x125xi32, #tpu.memory_space<vmem>> -> memref<125xi32, #tpu.memory_space<vmem>>
      %dma_wait3A_96 = arith.constant 0 : i32
      %dma_wait3A_97 = arith.constant 0 : i32
      %dma_wait3A_98 = tpu.memref_slice %arg2[%dma_wait3A_96, %dma_wait3A_97] : memref<20000x64xf32, #tpu.memory_space<hbm>> -> memref<20000x64xf32, #tpu.memory_space<hbm>>
      %dma_wait3A_99 = tpu.memref_slice %arg14[%dma_wait3A_88] : memref<2x!tpu.dma_semaphore, #tpu.memory_space<semaphore_mem>> -> memref<1x!tpu.dma_semaphore, #tpu.memory_space<semaphore_mem>>
      %dma_wait3A_100 = tpu.memref_squeeze %dma_wait3A_99 : memref<1x!tpu.dma_semaphore, #tpu.memory_space<semaphore_mem>> -> memref<!tpu.dma_semaphore, #tpu.memory_space<semaphore_mem>>
      tpu.wait_indirect_dma semaphore(%dma_wait3A_100 : memref<!tpu.dma_semaphore, #tpu.memory_space<semaphore_mem>>) src(%dma_wait3A_98 : memref<20000x64xf32, #tpu.memory_space<hbm>>) dst(%dma_wait3A_92 : memref<125x64xf32, #tpu.memory_space<vmem>>)
      %add3A_101 = arith.constant 1 : i32
      %add3A_102 = arith.addi %add3A_86, %add3A_101 : i32
      %lt3A_103 = arith.constant 160 : i32
      %lt3A_104 = arith.cmpi slt, %add3A_102, %lt3A_103 : i32
      %convert_element_type3A_105 = arith.extui %lt3A_104 : i1 to i32
      %cond3A_106 = arith.constant 0 : i32
      %cond3A_107 = arith.cmpi ne, %convert_element_type3A_105, %cond3A_106 : i32
      scf.if %cond3A_107 {
        %add3A_119 = arith.constant 1 : i32
        %add3A_120 = arith.addi %add3A_86, %add3A_119 : i32
        %dma_start3A_121 = arith.constant 0 : i32
        %dma_start3A_122 = arith.constant 0 : i32
        %dma_start3A_123 = arith.constant 0 : i32
        %dma_start3A_124 = arith.constant 0 : i32
        %dma_start3A_125 = tpu.memref_slice %arg9[%dma_start3A_121, %dma_start3A_123, %dma_start3A_124] : memref<2x125x64xf32, #tpu.memory_space<vmem>> -> memref<1x125x64xf32, #tpu.memory_space<vmem>>
        %dma_start3A_126 = tpu.memref_squeeze %dma_start3A_125 : memref<1x125x64xf32, #tpu.memory_space<vmem>> -> memref<125x64xf32, #tpu.memory_space<vmem>>
        %dma_start3A_127 = arith.constant 0 : i32
        %dma_start3A_128 = tpu.memref_slice %arg7[%add3A_120, %dma_start3A_127] : memref<160x125xi32, #tpu.memory_space<vmem>> -> memref<1x125xi32, #tpu.memory_space<vmem>>
        %dma_start3A_129 = tpu.memref_squeeze %dma_start3A_128 : memref<1x125xi32, #tpu.memory_space<vmem>> -> memref<125xi32, #tpu.memory_space<vmem>>
        %dma_start3A_130 = arith.constant 0 : i32
        %dma_start3A_131 = arith.constant 0 : i32
        %dma_start3A_132 = tpu.memref_slice %arg2[%dma_start3A_130, %dma_start3A_131] : memref<20000x64xf32, #tpu.memory_space<hbm>> -> memref<20000x64xf32, #tpu.memory_space<hbm>>
        %dma_start3A_133 = tpu.memref_slice %arg14[%dma_start3A_122] : memref<2x!tpu.dma_semaphore, #tpu.memory_space<semaphore_mem>> -> memref<1x!tpu.dma_semaphore, #tpu.memory_space<semaphore_mem>>
        %dma_start3A_134 = tpu.memref_squeeze %dma_start3A_133 : memref<1x!tpu.dma_semaphore, #tpu.memory_space<semaphore_mem>> -> memref<!tpu.dma_semaphore, #tpu.memory_space<semaphore_mem>>
        tpu.enqueue_indirect_dma source(%dma_start3A_132 : memref<20000x64xf32, #tpu.memory_space<hbm>>) target(%dma_start3A_126 : memref<125x64xf32, #tpu.memory_space<vmem>>) offsets(%dma_start3A_129 : memref<125xi32, #tpu.memory_space<vmem>>) semaphore(%dma_start3A_134 : memref<!tpu.dma_semaphore, #tpu.memory_space<semaphore_mem>>)
      } else {
      }
      %run_scoped3A_108 = arith.constant 1 : i32
      "tpu.region"() ({
        %run_scoped3A_119 = tpu.sem_alloc : memref<!tpu.dma_semaphore, #tpu.memory_space<semaphore_mem>>
        %dma_start3A_120 = arith.constant 0 : i32
        %dma_start3A_121 = arith.constant 0 : i32
        %dma_start3A_122 = tpu.memref_slice %arg9[%run_scoped3A_108, %dma_start3A_120, %dma_start3A_121] : memref<2x125x64xf32, #tpu.memory_space<vmem>> -> memref<1x125x64xf32, #tpu.memory_space<vmem>>
        %dma_start3A_123 = tpu.memref_squeeze %dma_start3A_122 : memref<1x125x64xf32, #tpu.memory_space<vmem>> -> memref<125x64xf32, #tpu.memory_space<vmem>>
        %dma_start3A_124 = arith.constant 0 : i32
        %dma_start3A_125 = tpu.memref_slice %arg8[%add3A_86, %dma_start3A_124] : memref<160x125xi32, #tpu.memory_space<vmem>> -> memref<1x125xi32, #tpu.memory_space<vmem>>
        %dma_start3A_126 = tpu.memref_squeeze %dma_start3A_125 : memref<1x125xi32, #tpu.memory_space<vmem>> -> memref<125xi32, #tpu.memory_space<vmem>>
        %dma_start3A_127 = arith.constant 0 : i32
        %dma_start3A_128 = arith.constant 0 : i32
        %dma_start3A_129 = tpu.memref_slice %arg12[%dma_start3A_127, %dma_start3A_128] : memref<10240x64xf32, #tpu.memory_space<vmem_shared>> -> memref<10240x64xf32, #tpu.memory_space<vmem_shared>>
        tpu.enqueue_indirect_dma source(%dma_start3A_123 : memref<125x64xf32, #tpu.memory_space<vmem>>) target(%dma_start3A_129 : memref<10240x64xf32, #tpu.memory_space<vmem_shared>>) offsets(%dma_start3A_126 : memref<125xi32, #tpu.memory_space<vmem>>) semaphore(%run_scoped3A_119 : memref<!tpu.dma_semaphore, #tpu.memory_space<semaphore_mem>>) {add = true}
        %dma_wait3A_130 = arith.constant 0 : i32
        %dma_wait3A_131 = arith.constant 0 : i32
        %dma_wait3A_132 = tpu.memref_slice %arg9[%run_scoped3A_108, %dma_wait3A_130, %dma_wait3A_131] : memref<2x125x64xf32, #tpu.memory_space<vmem>> -> memref<1x125x64xf32, #tpu.memory_space<vmem>>
        %dma_wait3A_133 = tpu.memref_squeeze %dma_wait3A_132 : memref<1x125x64xf32, #tpu.memory_space<vmem>> -> memref<125x64xf32, #tpu.memory_space<vmem>>
        %dma_wait3A_134 = arith.constant 0 : i32
        %dma_wait3A_135 = tpu.memref_slice %arg8[%add3A_86, %dma_wait3A_134] : memref<160x125xi32, #tpu.memory_space<vmem>> -> memref<1x125xi32, #tpu.memory_space<vmem>>
        %dma_wait3A_136 = tpu.memref_squeeze %dma_wait3A_135 : memref<1x125xi32, #tpu.memory_space<vmem>> -> memref<125xi32, #tpu.memory_space<vmem>>
        %dma_wait3A_137 = arith.constant 0 : i32
        %dma_wait3A_138 = arith.constant 0 : i32
        %dma_wait3A_139 = tpu.memref_slice %arg12[%dma_wait3A_137, %dma_wait3A_138] : memref<10240x64xf32, #tpu.memory_space<vmem_shared>> -> memref<10240x64xf32, #tpu.memory_space<vmem_shared>>
        tpu.wait_indirect_dma semaphore(%run_scoped3A_119 : memref<!tpu.dma_semaphore, #tpu.memory_space<semaphore_mem>>) src(%dma_wait3A_133 : memref<125x64xf32, #tpu.memory_space<vmem>>) dst(%dma_wait3A_139 : memref<10240x64xf32, #tpu.memory_space<vmem_shared>>)
        tpu.yield
      }) : () -> ()
      %lt3A_109 = arith.constant 80 : i32
      %lt3A_110 = arith.cmpi slt, %add3A_86, %lt3A_109 : i32
      %eq3A_111 = arith.constant 0 : i32
      %eq3A_112 = arith.cmpi eq, %arg0, %eq3A_111 : i32
      %eq3A_113 = arith.xori %lt3A_110, %eq3A_112 : i1
      %eq3A_114 = arith.constant true
      %eq3A_115 = arith.xori %eq3A_113, %eq3A_114 : i1
      %convert_element_type3A_116 = arith.extui %eq3A_115 : i1 to i32
      %cond3A_117 = arith.constant 0 : i32
      %cond3A_118 = arith.cmpi ne, %convert_element_type3A_116, %cond3A_117 : i32
      scf.if %cond3A_118 {
        "tpu.region"() ({
          %run_scoped3A_119 = tpu.sem_alloc : memref<!tpu.dma_semaphore, #tpu.memory_space<semaphore_mem>>
          %dma_start3A_120 = arith.constant 0 : i32
          %dma_start3A_121 = tpu.memref_slice %arg8[%add3A_86, %dma_start3A_120] : memref<160x125xi32, #tpu.memory_space<vmem>> -> memref<1x125xi32, #tpu.memory_space<vmem>>
          %dma_start3A_122 = tpu.memref_squeeze %dma_start3A_121 : memref<1x125xi32, #tpu.memory_space<vmem>> -> memref<125xi32, #tpu.memory_space<vmem>>
          %dma_start3A_123 = arith.constant 0 : i32
          %dma_start3A_124 = arith.constant 0 : i32
          %dma_start3A_125 = tpu.memref_slice %arg13[%dma_start3A_123, %dma_start3A_124] : memref<10240x16xf32, #tpu.memory_space<vmem_shared>> -> memref<10240x16xf32, #tpu.memory_space<vmem_shared>>
          tpu.enqueue_indirect_dma source(%arg11 : memref<125x16xf32, #tpu.memory_space<vmem>>) target(%dma_start3A_125 : memref<10240x16xf32, #tpu.memory_space<vmem_shared>>) offsets(%dma_start3A_122 : memref<125xi32, #tpu.memory_space<vmem>>) semaphore(%run_scoped3A_119 : memref<!tpu.dma_semaphore, #tpu.memory_space<semaphore_mem>>) {add = true}
          %dma_wait3A_126 = arith.constant 0 : i32
          %dma_wait3A_127 = tpu.memref_slice %arg8[%add3A_86, %dma_wait3A_126] : memref<160x125xi32, #tpu.memory_space<vmem>> -> memref<1x125xi32, #tpu.memory_space<vmem>>
          %dma_wait3A_128 = tpu.memref_squeeze %dma_wait3A_127 : memref<1x125xi32, #tpu.memory_space<vmem>> -> memref<125xi32, #tpu.memory_space<vmem>>
          %dma_wait3A_129 = arith.constant 0 : i32
          %dma_wait3A_130 = arith.constant 0 : i32
          %dma_wait3A_131 = tpu.memref_slice %arg13[%dma_wait3A_129, %dma_wait3A_130] : memref<10240x16xf32, #tpu.memory_space<vmem_shared>> -> memref<10240x16xf32, #tpu.memory_space<vmem_shared>>
          tpu.wait_indirect_dma semaphore(%run_scoped3A_119 : memref<!tpu.dma_semaphore, #tpu.memory_space<semaphore_mem>>) src(%arg11 : memref<125x16xf32, #tpu.memory_space<vmem>>) dst(%dma_wait3A_131 : memref<10240x16xf32, #tpu.memory_space<vmem_shared>>)
          tpu.yield
        }) : () -> ()
      } else {
      }
    }
    %scan3A_49 = arith.constant 80 : i32
    %barrier3A_50 = arith.constant 0 : index
    tpu.barrier barrier_id(%barrier3A_50)
    "tpu.region"() ({
      %run_scoped3A_51 = tpu.sem_alloc : memref<!tpu.dma_semaphore, #tpu.memory_space<semaphore_mem>>
      %dma_start3A_52 = arith.constant 0 : i32
      %dma_start3A_53 = tpu.memref_slice %arg5[%mul3A_19, %arg0, %dma_start3A_52] : memref<10240x2x64xf32, #tpu.memory_space<hbm>> -> memref<640x1x64xf32, #tpu.memory_space<hbm>>
      %dma_start3A_54 = tpu.memref_squeeze %dma_start3A_53 : memref<640x1x64xf32, #tpu.memory_space<hbm>> -> memref<640x64xf32, #tpu.memory_space<hbm>>
      %dma_start3A_55 = arith.constant 0 : i32
      %dma_start3A_56 = tpu.memref_slice %arg12[%mul3A_19, %dma_start3A_55] : memref<10240x64xf32, #tpu.memory_space<vmem_shared>> -> memref<640x64xf32, #tpu.memory_space<vmem_shared>>
      tpu.enqueue_dma source(%dma_start3A_56 : memref<640x64xf32, #tpu.memory_space<vmem_shared>>) target(%dma_start3A_54 : memref<640x64xf32, #tpu.memory_space<hbm>>) target_semaphore(%run_scoped3A_51 : memref<!tpu.dma_semaphore, #tpu.memory_space<semaphore_mem>>)
      %dma_wait3A = arith.constant 0 : i32
      %dma_wait3A_57 = tpu.memref_slice %arg5[%mul3A_19, %arg0, %dma_wait3A] : memref<10240x2x64xf32, #tpu.memory_space<hbm>> -> memref<640x1x64xf32, #tpu.memory_space<hbm>>
      %dma_wait3A_58 = tpu.memref_squeeze %dma_wait3A_57 : memref<640x1x64xf32, #tpu.memory_space<hbm>> -> memref<640x64xf32, #tpu.memory_space<hbm>>
      %dma_wait3A_59 = arith.constant 0 : i32
      %dma_wait3A_60 = tpu.memref_slice %arg12[%mul3A_19, %dma_wait3A_59] : memref<10240x64xf32, #tpu.memory_space<vmem_shared>> -> memref<640x64xf32, #tpu.memory_space<vmem_shared>>
      tpu.wait_dma2 semaphore(%run_scoped3A_51 : memref<!tpu.dma_semaphore, #tpu.memory_space<semaphore_mem>>) src(%dma_wait3A_60 : memref<640x64xf32, #tpu.memory_space<vmem_shared>>) dst(%dma_wait3A_58 : memref<640x64xf32, #tpu.memory_space<hbm>>)
      tpu.yield
    }) : () -> ()
    "tpu.region"() ({
      %run_scoped3A_51 = tpu.sem_alloc : memref<!tpu.dma_semaphore, #tpu.memory_space<semaphore_mem>>
      %dma_start3A_52 = arith.constant 0 : i32
      %dma_start3A_53 = tpu.memref_slice %arg6[%mul3A_19, %arg0, %dma_start3A_52] : memref<10240x2x16xf32, #tpu.memory_space<hbm>> -> memref<640x1x16xf32, #tpu.memory_space<hbm>>
      %dma_start3A_54 = tpu.memref_squeeze %dma_start3A_53 : memref<640x1x16xf32, #tpu.memory_space<hbm>> -> memref<640x16xf32, #tpu.memory_space<hbm>>
      %dma_start3A_55 = arith.constant 0 : i32
      %dma_start3A_56 = tpu.memref_slice %arg13[%mul3A_19, %dma_start3A_55] : memref<10240x16xf32, #tpu.memory_space<vmem_shared>> -> memref<640x16xf32, #tpu.memory_space<vmem_shared>>
      tpu.enqueue_dma source(%dma_start3A_56 : memref<640x16xf32, #tpu.memory_space<vmem_shared>>) target(%dma_start3A_54 : memref<640x16xf32, #tpu.memory_space<hbm>>) target_semaphore(%run_scoped3A_51 : memref<!tpu.dma_semaphore, #tpu.memory_space<semaphore_mem>>)
      %dma_wait3A = arith.constant 0 : i32
      %dma_wait3A_57 = tpu.memref_slice %arg6[%mul3A_19, %arg0, %dma_wait3A] : memref<10240x2x16xf32, #tpu.memory_space<hbm>> -> memref<640x1x16xf32, #tpu.memory_space<hbm>>
      %dma_wait3A_58 = tpu.memref_squeeze %dma_wait3A_57 : memref<640x1x16xf32, #tpu.memory_space<hbm>> -> memref<640x16xf32, #tpu.memory_space<hbm>>
      %dma_wait3A_59 = arith.constant 0 : i32
      %dma_wait3A_60 = tpu.memref_slice %arg13[%mul3A_19, %dma_wait3A_59] : memref<10240x16xf32, #tpu.memory_space<vmem_shared>> -> memref<640x16xf32, #tpu.memory_space<vmem_shared>>
      tpu.wait_dma2 semaphore(%run_scoped3A_51 : memref<!tpu.dma_semaphore, #tpu.memory_space<semaphore_mem>>) src(%dma_wait3A_60 : memref<640x16xf32, #tpu.memory_space<vmem_shared>>) dst(%dma_wait3A_58 : memref<640x16xf32, #tpu.memory_space<hbm>>)
      tpu.yield
    }) : () -> ()
    return
  }
}

#map = affine_map<(d0, d1) -> (0, 0)>
#map1 = affine_map<(d0, d1) -> (0, 0, 0)>
module attributes {stable_mosaic.version = 14 : i64} {
  func.func @_agg_body(%arg0: i32, %arg1: i32, %arg2: memref<20480x64xf32, #tpu.memory_space<hbm>>, %arg3: memref<16x160x125xi32, #tpu.memory_space<hbm>>, %arg4: memref<16x160x125xi32, #tpu.memory_space<hbm>>, %arg5: memref<10240x2x64xf32, #tpu.memory_space<hbm>>, %arg6: memref<160x125xi32, #tpu.memory_space<vmem>>, %arg7: memref<160x125xi32, #tpu.memory_space<vmem>>, %arg8: memref<2x125x64xf32, #tpu.memory_space<vmem>>, %arg9: memref<64x16xf32, #tpu.memory_space<vmem>>, %arg10: memref<125x16xf32, #tpu.memory_space<vmem>>, %arg11: memref<10240x64xf32, #tpu.memory_space<vmem_shared>>, %arg12: memref<10240x16xf32, #tpu.memory_space<vmem_shared>>, %arg13: memref<2x!tpu.dma_semaphore, #tpu.memory_space<semaphore_mem>>) attributes {dimension_semantics = [#tpu.dimension_semantics<core_parallel>, #tpu.dimension_semantics<subcore_parallel>], iteration_bounds = array<i64: 2, 16>, scalar_prefetch = 0 : i64, scratch_operands = 8 : i64, tpu.core_type = #tpu.core_type<sc_vector_subcore>, window_params = [{transform_indices = #map}, {transform_indices = #map1}, {transform_indices = #map1}, {transform_indices = #map1}]} {
    "tpu.region"() ({
      %run_scoped3A_36 = tpu.sem_alloc : memref<!tpu.dma_semaphore, #tpu.memory_space<semaphore_mem>>
      %dma_start3A_37 = arith.constant 0 : i32
      %dma_start3A_38 = arith.constant 0 : i32
      %dma_start3A_39 = tpu.memref_slice %arg3[%arg1, %dma_start3A_37, %dma_start3A_38] : memref<16x160x125xi32, #tpu.memory_space<hbm>> -> memref<1x160x125xi32, #tpu.memory_space<hbm>>
      %dma_start3A_40 = tpu.memref_squeeze %dma_start3A_39 : memref<1x160x125xi32, #tpu.memory_space<hbm>> -> memref<160x125xi32, #tpu.memory_space<hbm>>
      %dma_start3A_41 = arith.constant 0 : i32
      %dma_start3A_42 = arith.constant 0 : i32
      %dma_start3A_43 = tpu.memref_slice %arg3[%arg1, %dma_start3A_41, %dma_start3A_42] : memref<16x160x125xi32, #tpu.memory_space<hbm>> -> memref<1x160x125xi32, #tpu.memory_space<hbm>>
      %dma_start3A_44 = tpu.memref_squeeze %dma_start3A_43 : memref<1x160x125xi32, #tpu.memory_space<hbm>> -> memref<160x125xi32, #tpu.memory_space<hbm>>
      tpu.enqueue_dma source(%dma_start3A_44 : memref<160x125xi32, #tpu.memory_space<hbm>>) target(%arg6 : memref<160x125xi32, #tpu.memory_space<vmem>>) target_semaphore(%run_scoped3A_36 : memref<!tpu.dma_semaphore, #tpu.memory_space<semaphore_mem>>)
      %dma_wait3A = arith.constant 0 : i32
      %dma_wait3A_45 = arith.constant 0 : i32
      %dma_wait3A_46 = tpu.memref_slice %arg3[%arg1, %dma_wait3A, %dma_wait3A_45] : memref<16x160x125xi32, #tpu.memory_space<hbm>> -> memref<1x160x125xi32, #tpu.memory_space<hbm>>
      %dma_wait3A_47 = tpu.memref_squeeze %dma_wait3A_46 : memref<1x160x125xi32, #tpu.memory_space<hbm>> -> memref<160x125xi32, #tpu.memory_space<hbm>>
      %dma_wait3A_48 = arith.constant 0 : i32
      %dma_wait3A_49 = arith.constant 0 : i32
      %dma_wait3A_50 = tpu.memref_slice %arg3[%arg1, %dma_wait3A_48, %dma_wait3A_49] : memref<16x160x125xi32, #tpu.memory_space<hbm>> -> memref<1x160x125xi32, #tpu.memory_space<hbm>>
      %dma_wait3A_51 = tpu.memref_squeeze %dma_wait3A_50 : memref<1x160x125xi32, #tpu.memory_space<hbm>> -> memref<160x125xi32, #tpu.memory_space<hbm>>
      tpu.wait_dma2 semaphore(%run_scoped3A_36 : memref<!tpu.dma_semaphore, #tpu.memory_space<semaphore_mem>>) src(%dma_wait3A_51 : memref<160x125xi32, #tpu.memory_space<hbm>>) dst(%arg6 : memref<160x125xi32, #tpu.memory_space<vmem>>)
      tpu.yield
    }) : () -> ()
    "tpu.region"() ({
      %run_scoped3A_36 = tpu.sem_alloc : memref<!tpu.dma_semaphore, #tpu.memory_space<semaphore_mem>>
      %dma_start3A_37 = arith.constant 0 : i32
      %dma_start3A_38 = arith.constant 0 : i32
      %dma_start3A_39 = tpu.memref_slice %arg4[%arg1, %dma_start3A_37, %dma_start3A_38] : memref<16x160x125xi32, #tpu.memory_space<hbm>> -> memref<1x160x125xi32, #tpu.memory_space<hbm>>
      %dma_start3A_40 = tpu.memref_squeeze %dma_start3A_39 : memref<1x160x125xi32, #tpu.memory_space<hbm>> -> memref<160x125xi32, #tpu.memory_space<hbm>>
      %dma_start3A_41 = arith.constant 0 : i32
      %dma_start3A_42 = arith.constant 0 : i32
      %dma_start3A_43 = tpu.memref_slice %arg4[%arg1, %dma_start3A_41, %dma_start3A_42] : memref<16x160x125xi32, #tpu.memory_space<hbm>> -> memref<1x160x125xi32, #tpu.memory_space<hbm>>
      %dma_start3A_44 = tpu.memref_squeeze %dma_start3A_43 : memref<1x160x125xi32, #tpu.memory_space<hbm>> -> memref<160x125xi32, #tpu.memory_space<hbm>>
      tpu.enqueue_dma source(%dma_start3A_44 : memref<160x125xi32, #tpu.memory_space<hbm>>) target(%arg7 : memref<160x125xi32, #tpu.memory_space<vmem>>) target_semaphore(%run_scoped3A_36 : memref<!tpu.dma_semaphore, #tpu.memory_space<semaphore_mem>>)
      %dma_wait3A = arith.constant 0 : i32
      %dma_wait3A_45 = arith.constant 0 : i32
      %dma_wait3A_46 = tpu.memref_slice %arg4[%arg1, %dma_wait3A, %dma_wait3A_45] : memref<16x160x125xi32, #tpu.memory_space<hbm>> -> memref<1x160x125xi32, #tpu.memory_space<hbm>>
      %dma_wait3A_47 = tpu.memref_squeeze %dma_wait3A_46 : memref<1x160x125xi32, #tpu.memory_space<hbm>> -> memref<160x125xi32, #tpu.memory_space<hbm>>
      %dma_wait3A_48 = arith.constant 0 : i32
      %dma_wait3A_49 = arith.constant 0 : i32
      %dma_wait3A_50 = tpu.memref_slice %arg4[%arg1, %dma_wait3A_48, %dma_wait3A_49] : memref<16x160x125xi32, #tpu.memory_space<hbm>> -> memref<1x160x125xi32, #tpu.memory_space<hbm>>
      %dma_wait3A_51 = tpu.memref_squeeze %dma_wait3A_50 : memref<1x160x125xi32, #tpu.memory_space<hbm>> -> memref<160x125xi32, #tpu.memory_space<hbm>>
      tpu.wait_dma2 semaphore(%run_scoped3A_36 : memref<!tpu.dma_semaphore, #tpu.memory_space<semaphore_mem>>) src(%dma_wait3A_51 : memref<160x125xi32, #tpu.memory_space<hbm>>) dst(%arg7 : memref<160x125xi32, #tpu.memory_space<vmem>>)
      tpu.yield
    }) : () -> ()
    %scan3A = arith.constant 0 : i32
    %scan3A_0 = arith.constant 160 : i32
    %scan3A_1 = arith.addi %scan3A, %scan3A_0 : i32
    %scan3A_2 = arith.constant 1 : i32
    scf.for %scan3A_36 = %scan3A to %scan3A_1 step %scan3A_2  : i32 {
      %mul3A_37 = arith.constant 1 : i32
      %mul3A_38 = arith.muli %scan3A_36, %mul3A_37 : i32
      %add3A_39 = arith.constant 0 : i32
      %add3A_40 = arith.addi %add3A_39, %mul3A_38 : i32
      %get3A = arith.index_cast %add3A_40 : i32 to index
      %get3A_41 = arith.constant 109 : index
      %get3A_42 = tpu.vector_load %arg6[%get3A, %get3A_41] {strides = array<i32>} : memref<160x125xi32, #tpu.memory_space<vmem>>, vector<1x16xi32>,
      %get3A_43 = vector.shape_cast %get3A_42 : vector<1x16xi32> to vector<16xi32>
      %get3A_44 = arith.index_cast %add3A_40 : i32 to index
      %get3A_45 = arith.constant 0 : index
      %get3A_46 = tpu.vector_load %arg6[%get3A_44, %get3A_45] {strides = array<i32>} : memref<160x125xi32, #tpu.memory_space<vmem>>, vector<1x16xi32>,
      %get3A_47 = vector.shape_cast %get3A_46 : vector<1x16xi32> to vector<16xi32>
      %mul3A_48 = arith.constant 2 : i32
      %mul3A_49 = vector.broadcast %mul3A_48 : i32 to vector<16xi32>
      %mul3A_50 = arith.muli %get3A_47, %mul3A_49 : vector<16xi32>
      %add3A_51 = vector.broadcast %arg0 : i32 to vector<16xi32>
      %add3A_52 = arith.addi %mul3A_50, %add3A_51 : vector<16xi32>
      %swap3A = arith.index_cast %add3A_40 : i32 to index
      %swap3A_53 = arith.constant 0 : index
      %swap3A_54 = tpu.vector_load %arg6[%swap3A, %swap3A_53] {strides = array<i32>} : memref<160x125xi32, #tpu.memory_space<vmem>>, vector<1x16xi32>,
      %swap3A_55 = vector.shape_cast %swap3A_54 : vector<1x16xi32> to vector<16xi32>
      %swap3A_56 = vector.shape_cast %add3A_52 : vector<16xi32> to vector<1x16xi32>
      tpu.vector_store %arg6[%swap3A, %swap3A_53], %swap3A_56 {strides = array<i32>} : memref<160x125xi32, #tpu.memory_space<vmem>>, vector<1x16xi32>,
      %get3A_57 = arith.index_cast %add3A_40 : i32 to index
      %get3A_58 = arith.constant 16 : index
      %get3A_59 = tpu.vector_load %arg6[%get3A_57, %get3A_58] {strides = array<i32>} : memref<160x125xi32, #tpu.memory_space<vmem>>, vector<1x16xi32>,
      %get3A_60 = vector.shape_cast %get3A_59 : vector<1x16xi32> to vector<16xi32>
      %mul3A_61 = arith.constant 2 : i32
      %mul3A_62 = vector.broadcast %mul3A_61 : i32 to vector<16xi32>
      %mul3A_63 = arith.muli %get3A_60, %mul3A_62 : vector<16xi32>
      %add3A_64 = vector.broadcast %arg0 : i32 to vector<16xi32>
      %add3A_65 = arith.addi %mul3A_63, %add3A_64 : vector<16xi32>
      %swap3A_66 = arith.index_cast %add3A_40 : i32 to index
      %swap3A_67 = arith.constant 16 : index
      %swap3A_68 = tpu.vector_load %arg6[%swap3A_66, %swap3A_67] {strides = array<i32>} : memref<160x125xi32, #tpu.memory_space<vmem>>, vector<1x16xi32>,
      %swap3A_69 = vector.shape_cast %swap3A_68 : vector<1x16xi32> to vector<16xi32>
      %swap3A_70 = vector.shape_cast %add3A_65 : vector<16xi32> to vector<1x16xi32>
      tpu.vector_store %arg6[%swap3A_66, %swap3A_67], %swap3A_70 {strides = array<i32>} : memref<160x125xi32, #tpu.memory_space<vmem>>, vector<1x16xi32>,
      %get3A_71 = arith.index_cast %add3A_40 : i32 to index
      %get3A_72 = arith.constant 32 : index
      %get3A_73 = tpu.vector_load %arg6[%get3A_71, %get3A_72] {strides = array<i32>} : memref<160x125xi32, #tpu.memory_space<vmem>>, vector<1x16xi32>,
      %get3A_74 = vector.shape_cast %get3A_73 : vector<1x16xi32> to vector<16xi32>
      %mul3A_75 = arith.constant 2 : i32
      %mul3A_76 = vector.broadcast %mul3A_75 : i32 to vector<16xi32>
      %mul3A_77 = arith.muli %get3A_74, %mul3A_76 : vector<16xi32>
      %add3A_78 = vector.broadcast %arg0 : i32 to vector<16xi32>
      %add3A_79 = arith.addi %mul3A_77, %add3A_78 : vector<16xi32>
      %swap3A_80 = arith.index_cast %add3A_40 : i32 to index
      %swap3A_81 = arith.constant 32 : index
      %swap3A_82 = tpu.vector_load %arg6[%swap3A_80, %swap3A_81] {strides = array<i32>} : memref<160x125xi32, #tpu.memory_space<vmem>>, vector<1x16xi32>,
      %swap3A_83 = vector.shape_cast %swap3A_82 : vector<1x16xi32> to vector<16xi32>
      %swap3A_84 = vector.shape_cast %add3A_79 : vector<16xi32> to vector<1x16xi32>
      tpu.vector_store %arg6[%swap3A_80, %swap3A_81], %swap3A_84 {strides = array<i32>} : memref<160x125xi32, #tpu.memory_space<vmem>>, vector<1x16xi32>,
      %get3A_85 = arith.index_cast %add3A_40 : i32 to index
      %get3A_86 = arith.constant 48 : index
      %get3A_87 = tpu.vector_load %arg6[%get3A_85, %get3A_86] {strides = array<i32>} : memref<160x125xi32, #tpu.memory_space<vmem>>, vector<1x16xi32>,
      %get3A_88 = vector.shape_cast %get3A_87 : vector<1x16xi32> to vector<16xi32>
      %mul3A_89 = arith.constant 2 : i32
      %mul3A_90 = vector.broadcast %mul3A_89 : i32 to vector<16xi32>
      %mul3A_91 = arith.muli %get3A_88, %mul3A_90 : vector<16xi32>
      %add3A_92 = vector.broadcast %arg0 : i32 to vector<16xi32>
      %add3A_93 = arith.addi %mul3A_91, %add3A_92 : vector<16xi32>
      %swap3A_94 = arith.index_cast %add3A_40 : i32 to index
      %swap3A_95 = arith.constant 48 : index
      %swap3A_96 = tpu.vector_load %arg6[%swap3A_94, %swap3A_95] {strides = array<i32>} : memref<160x125xi32, #tpu.memory_space<vmem>>, vector<1x16xi32>,
      %swap3A_97 = vector.shape_cast %swap3A_96 : vector<1x16xi32> to vector<16xi32>
      %swap3A_98 = vector.shape_cast %add3A_93 : vector<16xi32> to vector<1x16xi32>
      tpu.vector_store %arg6[%swap3A_94, %swap3A_95], %swap3A_98 {strides = array<i32>} : memref<160x125xi32, #tpu.memory_space<vmem>>, vector<1x16xi32>,
      %get3A_99 = arith.index_cast %add3A_40 : i32 to index
      %get3A_100 = arith.constant 64 : index
      %get3A_101 = tpu.vector_load %arg6[%get3A_99, %get3A_100] {strides = array<i32>} : memref<160x125xi32, #tpu.memory_space<vmem>>, vector<1x16xi32>,
      %get3A_102 = vector.shape_cast %get3A_101 : vector<1x16xi32> to vector<16xi32>
      %mul3A_103 = arith.constant 2 : i32
      %mul3A_104 = vector.broadcast %mul3A_103 : i32 to vector<16xi32>
      %mul3A_105 = arith.muli %get3A_102, %mul3A_104 : vector<16xi32>
      %add3A_106 = vector.broadcast %arg0 : i32 to vector<16xi32>
      %add3A_107 = arith.addi %mul3A_105, %add3A_106 : vector<16xi32>
      %swap3A_108 = arith.index_cast %add3A_40 : i32 to index
      %swap3A_109 = arith.constant 64 : index
      %swap3A_110 = tpu.vector_load %arg6[%swap3A_108, %swap3A_109] {strides = array<i32>} : memref<160x125xi32, #tpu.memory_space<vmem>>, vector<1x16xi32>,
      %swap3A_111 = vector.shape_cast %swap3A_110 : vector<1x16xi32> to vector<16xi32>
      %swap3A_112 = vector.shape_cast %add3A_107 : vector<16xi32> to vector<1x16xi32>
      tpu.vector_store %arg6[%swap3A_108, %swap3A_109], %swap3A_112 {strides = array<i32>} : memref<160x125xi32, #tpu.memory_space<vmem>>, vector<1x16xi32>,
      %get3A_113 = arith.index_cast %add3A_40 : i32 to index
      %get3A_114 = arith.constant 80 : index
      %get3A_115 = tpu.vector_load %arg6[%get3A_113, %get3A_114] {strides = array<i32>} : memref<160x125xi32, #tpu.memory_space<vmem>>, vector<1x16xi32>,
      %get3A_116 = vector.shape_cast %get3A_115 : vector<1x16xi32> to vector<16xi32>
      %mul3A_117 = arith.constant 2 : i32
      %mul3A_118 = vector.broadcast %mul3A_117 : i32 to vector<16xi32>
      %mul3A_119 = arith.muli %get3A_116, %mul3A_118 : vector<16xi32>
      %add3A_120 = vector.broadcast %arg0 : i32 to vector<16xi32>
      %add3A_121 = arith.addi %mul3A_119, %add3A_120 : vector<16xi32>
      %swap3A_122 = arith.index_cast %add3A_40 : i32 to index
      %swap3A_123 = arith.constant 80 : index
      %swap3A_124 = tpu.vector_load %arg6[%swap3A_122, %swap3A_123] {strides = array<i32>} : memref<160x125xi32, #tpu.memory_space<vmem>>, vector<1x16xi32>,
      %swap3A_125 = vector.shape_cast %swap3A_124 : vector<1x16xi32> to vector<16xi32>
      %swap3A_126 = vector.shape_cast %add3A_121 : vector<16xi32> to vector<1x16xi32>
      tpu.vector_store %arg6[%swap3A_122, %swap3A_123], %swap3A_126 {strides = array<i32>} : memref<160x125xi32, #tpu.memory_space<vmem>>, vector<1x16xi32>,
      %get3A_127 = arith.index_cast %add3A_40 : i32 to index
      %get3A_128 = arith.constant 96 : index
      %get3A_129 = tpu.vector_load %arg6[%get3A_127, %get3A_128] {strides = array<i32>} : memref<160x125xi32, #tpu.memory_space<vmem>>, vector<1x16xi32>,
      %get3A_130 = vector.shape_cast %get3A_129 : vector<1x16xi32> to vector<16xi32>
      %mul3A_131 = arith.constant 2 : i32
      %mul3A_132 = vector.broadcast %mul3A_131 : i32 to vector<16xi32>
      %mul3A_133 = arith.muli %get3A_130, %mul3A_132 : vector<16xi32>
      %add3A_134 = vector.broadcast %arg0 : i32 to vector<16xi32>
      %add3A_135 = arith.addi %mul3A_133, %add3A_134 : vector<16xi32>
      %swap3A_136 = arith.index_cast %add3A_40 : i32 to index
      %swap3A_137 = arith.constant 96 : index
      %swap3A_138 = tpu.vector_load %arg6[%swap3A_136, %swap3A_137] {strides = array<i32>} : memref<160x125xi32, #tpu.memory_space<vmem>>, vector<1x16xi32>,
      %swap3A_139 = vector.shape_cast %swap3A_138 : vector<1x16xi32> to vector<16xi32>
      %swap3A_140 = vector.shape_cast %add3A_135 : vector<16xi32> to vector<1x16xi32>
      tpu.vector_store %arg6[%swap3A_136, %swap3A_137], %swap3A_140 {strides = array<i32>} : memref<160x125xi32, #tpu.memory_space<vmem>>, vector<1x16xi32>,
      %mul3A_141 = arith.constant 2 : i32
      %mul3A_142 = vector.broadcast %mul3A_141 : i32 to vector<16xi32>
      %mul3A_143 = arith.muli %get3A_43, %mul3A_142 : vector<16xi32>
      %add3A_144 = vector.broadcast %arg0 : i32 to vector<16xi32>
      %add3A_145 = arith.addi %mul3A_143, %add3A_144 : vector<16xi32>
      %swap3A_146 = arith.index_cast %add3A_40 : i32 to index
      %swap3A_147 = arith.constant 109 : index
      %swap3A_148 = tpu.vector_load %arg6[%swap3A_146, %swap3A_147] {strides = array<i32>} : memref<160x125xi32, #tpu.memory_space<vmem>>, vector<1x16xi32>,
      %swap3A_149 = vector.shape_cast %swap3A_148 : vector<1x16xi32> to vector<16xi32>
      %swap3A_150 = vector.shape_cast %add3A_145 : vector<16xi32> to vector<1x16xi32>
      tpu.vector_store %arg6[%swap3A_146, %swap3A_147], %swap3A_150 {strides = array<i32>} : memref<160x125xi32, #tpu.memory_space<vmem>>, vector<1x16xi32>,
    }
    %scan3A_3 = arith.constant 160 : i32
    %scan3A_4 = arith.constant 0 : i32
    %scan3A_5 = arith.constant 125 : i32
    %scan3A_6 = arith.addi %scan3A_4, %scan3A_5 : i32
    %scan3A_7 = arith.constant 1 : i32
    scf.for %scan3A_36 = %scan3A_4 to %scan3A_6 step %scan3A_7  : i32 {
      %mul3A_37 = arith.constant 1 : i32
      %mul3A_38 = arith.muli %scan3A_36, %mul3A_37 : i32
      %add3A_39 = arith.constant 0 : i32
      %add3A_40 = arith.addi %add3A_39, %mul3A_38 : i32
      %broadcast_in_dim3A = arith.constant 0.000000e+00 : f32
      %broadcast_in_dim3A_41 = vector.broadcast %broadcast_in_dim3A : f32 to vector<16xf32>
      %swap3A = arith.constant 0 : i32
      %swap3A_42 = arith.index_cast %swap3A : i32 to index
      %swap3A_43 = arith.index_cast %add3A_40 : i32 to index
      %swap3A_44 = arith.constant 0 : index
      %swap3A_45 = tpu.vector_load %arg8[%swap3A_42, %swap3A_43, %swap3A_44] {strides = array<i32>} : memref<2x125x64xf32, #tpu.memory_space<vmem>>, vector<1x1x16xf32>,
      %swap3A_46 = vector.shape_cast %swap3A_45 : vector<1x1x16xf32> to vector<16xf32>
      %swap3A_47 = vector.shape_cast %broadcast_in_dim3A_41 : vector<16xf32> to vector<1x1x16xf32>
      tpu.vector_store %arg8[%swap3A_42, %swap3A_43, %swap3A_44], %swap3A_47 {strides = array<i32>} : memref<2x125x64xf32, #tpu.memory_space<vmem>>, vector<1x1x16xf32>,
      %broadcast_in_dim3A_48 = arith.constant 0.000000e+00 : f32
      %broadcast_in_dim3A_49 = vector.broadcast %broadcast_in_dim3A_48 : f32 to vector<16xf32>
      %swap3A_50 = arith.constant 0 : i32
      %swap3A_51 = arith.index_cast %swap3A_50 : i32 to index
      %swap3A_52 = arith.index_cast %add3A_40 : i32 to index
      %swap3A_53 = arith.constant 16 : index
      %swap3A_54 = tpu.vector_load %arg8[%swap3A_51, %swap3A_52, %swap3A_53] {strides = array<i32>} : memref<2x125x64xf32, #tpu.memory_space<vmem>>, vector<1x1x16xf32>,
      %swap3A_55 = vector.shape_cast %swap3A_54 : vector<1x1x16xf32> to vector<16xf32>
      %swap3A_56 = vector.shape_cast %broadcast_in_dim3A_49 : vector<16xf32> to vector<1x1x16xf32>
      tpu.vector_store %arg8[%swap3A_51, %swap3A_52, %swap3A_53], %swap3A_56 {strides = array<i32>} : memref<2x125x64xf32, #tpu.memory_space<vmem>>, vector<1x1x16xf32>,
      %broadcast_in_dim3A_57 = arith.constant 0.000000e+00 : f32
      %broadcast_in_dim3A_58 = vector.broadcast %broadcast_in_dim3A_57 : f32 to vector<16xf32>
      %swap3A_59 = arith.constant 0 : i32
      %swap3A_60 = arith.index_cast %swap3A_59 : i32 to index
      %swap3A_61 = arith.index_cast %add3A_40 : i32 to index
      %swap3A_62 = arith.constant 32 : index
      %swap3A_63 = tpu.vector_load %arg8[%swap3A_60, %swap3A_61, %swap3A_62] {strides = array<i32>} : memref<2x125x64xf32, #tpu.memory_space<vmem>>, vector<1x1x16xf32>,
      %swap3A_64 = vector.shape_cast %swap3A_63 : vector<1x1x16xf32> to vector<16xf32>
      %swap3A_65 = vector.shape_cast %broadcast_in_dim3A_58 : vector<16xf32> to vector<1x1x16xf32>
      tpu.vector_store %arg8[%swap3A_60, %swap3A_61, %swap3A_62], %swap3A_65 {strides = array<i32>} : memref<2x125x64xf32, #tpu.memory_space<vmem>>, vector<1x1x16xf32>,
      %broadcast_in_dim3A_66 = arith.constant 0.000000e+00 : f32
      %broadcast_in_dim3A_67 = vector.broadcast %broadcast_in_dim3A_66 : f32 to vector<16xf32>
      %swap3A_68 = arith.constant 0 : i32
      %swap3A_69 = arith.index_cast %swap3A_68 : i32 to index
      %swap3A_70 = arith.index_cast %add3A_40 : i32 to index
      %swap3A_71 = arith.constant 48 : index
      %swap3A_72 = tpu.vector_load %arg8[%swap3A_69, %swap3A_70, %swap3A_71] {strides = array<i32>} : memref<2x125x64xf32, #tpu.memory_space<vmem>>, vector<1x1x16xf32>,
      %swap3A_73 = vector.shape_cast %swap3A_72 : vector<1x1x16xf32> to vector<16xf32>
      %swap3A_74 = vector.shape_cast %broadcast_in_dim3A_67 : vector<16xf32> to vector<1x1x16xf32>
      tpu.vector_store %arg8[%swap3A_69, %swap3A_70, %swap3A_71], %swap3A_74 {strides = array<i32>} : memref<2x125x64xf32, #tpu.memory_space<vmem>>, vector<1x1x16xf32>,
    }
    %scan3A_8 = arith.constant 125 : i32
    %mul3A = arith.constant 640 : i32
    %mul3A_9 = arith.muli %arg1, %mul3A : i32
    %scan3A_10 = arith.constant 0 : i32
    %scan3A_11 = arith.constant 5 : i32
    %scan3A_12 = arith.addi %scan3A_10, %scan3A_11 : i32
    %scan3A_13 = arith.constant 1 : i32
    scf.for %scan3A_36 = %scan3A_10 to %scan3A_12 step %scan3A_13  : i32 {
      %mul3A_37 = arith.constant 1 : i32
      %mul3A_38 = arith.muli %scan3A_36, %mul3A_37 : i32
      %add3A_39 = arith.constant 0 : i32
      %add3A_40 = arith.addi %add3A_39, %mul3A_38 : i32
      %mul3A_41 = arith.constant 125 : i32
      %mul3A_42 = arith.muli %add3A_40, %mul3A_41 : i32
      %add3A_43 = arith.addi %mul3A_9, %mul3A_42 : i32
      %run_scoped3A_44 = arith.constant 0 : i32
      "tpu.region"() ({
        %run_scoped3A_45 = tpu.sem_alloc : memref<!tpu.dma_semaphore, #tpu.memory_space<semaphore_mem>>
        %dma_start3A_46 = arith.constant 0 : i32
        %dma_start3A_47 = arith.constant 0 : i32
        %dma_start3A_48 = tpu.memref_slice %arg8[%run_scoped3A_44, %dma_start3A_46, %dma_start3A_47] : memref<2x125x64xf32, #tpu.memory_space<vmem>> -> memref<1x125x64xf32, #tpu.memory_space<vmem>>
        %dma_start3A_49 = tpu.memref_squeeze %dma_start3A_48 : memref<1x125x64xf32, #tpu.memory_space<vmem>> -> memref<125x64xf32, #tpu.memory_space<vmem>>
        %dma_start3A_50 = arith.constant 0 : i32
        %dma_start3A_51 = tpu.memref_slice %arg11[%add3A_43, %dma_start3A_50] : memref<10240x64xf32, #tpu.memory_space<vmem_shared>> -> memref<125x64xf32, #tpu.memory_space<vmem_shared>>
        %dma_start3A_52 = arith.constant 0 : i32
        %dma_start3A_53 = tpu.memref_slice %arg11[%add3A_43, %dma_start3A_52] : memref<10240x64xf32, #tpu.memory_space<vmem_shared>> -> memref<125x64xf32, #tpu.memory_space<vmem_shared>>
        %dma_start3A_54 = arith.constant 0 : i32
        %dma_start3A_55 = arith.constant 0 : i32
        %dma_start3A_56 = tpu.memref_slice %arg8[%run_scoped3A_44, %dma_start3A_54, %dma_start3A_55] : memref<2x125x64xf32, #tpu.memory_space<vmem>> -> memref<1x125x64xf32, #tpu.memory_space<vmem>>
        %dma_start3A_57 = tpu.memref_squeeze %dma_start3A_56 : memref<1x125x64xf32, #tpu.memory_space<vmem>> -> memref<125x64xf32, #tpu.memory_space<vmem>>
        tpu.enqueue_dma source(%dma_start3A_57 : memref<125x64xf32, #tpu.memory_space<vmem>>) target(%dma_start3A_53 : memref<125x64xf32, #tpu.memory_space<vmem_shared>>) target_semaphore(%run_scoped3A_45 : memref<!tpu.dma_semaphore, #tpu.memory_space<semaphore_mem>>)
        %dma_wait3A = arith.constant 0 : i32
        %dma_wait3A_58 = arith.constant 0 : i32
        %dma_wait3A_59 = tpu.memref_slice %arg8[%run_scoped3A_44, %dma_wait3A, %dma_wait3A_58] : memref<2x125x64xf32, #tpu.memory_space<vmem>> -> memref<1x125x64xf32, #tpu.memory_space<vmem>>
        %dma_wait3A_60 = tpu.memref_squeeze %dma_wait3A_59 : memref<1x125x64xf32, #tpu.memory_space<vmem>> -> memref<125x64xf32, #tpu.memory_space<vmem>>
        %dma_wait3A_61 = arith.constant 0 : i32
        %dma_wait3A_62 = tpu.memref_slice %arg11[%add3A_43, %dma_wait3A_61] : memref<10240x64xf32, #tpu.memory_space<vmem_shared>> -> memref<125x64xf32, #tpu.memory_space<vmem_shared>>
        %dma_wait3A_63 = arith.constant 0 : i32
        %dma_wait3A_64 = tpu.memref_slice %arg11[%add3A_43, %dma_wait3A_63] : memref<10240x64xf32, #tpu.memory_space<vmem_shared>> -> memref<125x64xf32, #tpu.memory_space<vmem_shared>>
        %dma_wait3A_65 = arith.constant 0 : i32
        %dma_wait3A_66 = arith.constant 0 : i32
        %dma_wait3A_67 = tpu.memref_slice %arg8[%run_scoped3A_44, %dma_wait3A_65, %dma_wait3A_66] : memref<2x125x64xf32, #tpu.memory_space<vmem>> -> memref<1x125x64xf32, #tpu.memory_space<vmem>>
        %dma_wait3A_68 = tpu.memref_squeeze %dma_wait3A_67 : memref<1x125x64xf32, #tpu.memory_space<vmem>> -> memref<125x64xf32, #tpu.memory_space<vmem>>
        tpu.wait_dma2 semaphore(%run_scoped3A_45 : memref<!tpu.dma_semaphore, #tpu.memory_space<semaphore_mem>>) src(%dma_wait3A_68 : memref<125x64xf32, #tpu.memory_space<vmem>>) dst(%dma_wait3A_64 : memref<125x64xf32, #tpu.memory_space<vmem_shared>>)
        tpu.yield
      }) : () -> ()
    }
    %scan3A_14 = arith.constant 5 : i32
    %add3A = arith.constant 625 : i32
    %add3A_15 = arith.addi %mul3A_9, %add3A : i32
    %run_scoped3A = arith.constant 0 : i32
    "tpu.region"() ({
      %run_scoped3A_36 = tpu.sem_alloc : memref<!tpu.dma_semaphore, #tpu.memory_space<semaphore_mem>>
      %dma_start3A_37 = arith.constant 0 : i32
      %dma_start3A_38 = arith.constant 0 : i32
      %dma_start3A_39 = tpu.memref_slice %arg8[%run_scoped3A, %dma_start3A_37, %dma_start3A_38] : memref<2x125x64xf32, #tpu.memory_space<vmem>> -> memref<1x15x64xf32, #tpu.memory_space<vmem>>
      %dma_start3A_40 = tpu.memref_squeeze %dma_start3A_39 : memref<1x15x64xf32, #tpu.memory_space<vmem>> -> memref<15x64xf32, #tpu.memory_space<vmem>>
      %dma_start3A_41 = arith.constant 0 : i32
      %dma_start3A_42 = tpu.memref_slice %arg11[%add3A_15, %dma_start3A_41] : memref<10240x64xf32, #tpu.memory_space<vmem_shared>> -> memref<15x64xf32, #tpu.memory_space<vmem_shared>>
      %dma_start3A_43 = arith.constant 0 : i32
      %dma_start3A_44 = tpu.memref_slice %arg11[%add3A_15, %dma_start3A_43] : memref<10240x64xf32, #tpu.memory_space<vmem_shared>> -> memref<15x64xf32, #tpu.memory_space<vmem_shared>>
      %dma_start3A_45 = arith.constant 0 : i32
      %dma_start3A_46 = arith.constant 0 : i32
      %dma_start3A_47 = tpu.memref_slice %arg8[%run_scoped3A, %dma_start3A_45, %dma_start3A_46] : memref<2x125x64xf32, #tpu.memory_space<vmem>> -> memref<1x15x64xf32, #tpu.memory_space<vmem>>
      %dma_start3A_48 = tpu.memref_squeeze %dma_start3A_47 : memref<1x15x64xf32, #tpu.memory_space<vmem>> -> memref<15x64xf32, #tpu.memory_space<vmem>>
      tpu.enqueue_dma source(%dma_start3A_48 : memref<15x64xf32, #tpu.memory_space<vmem>>) target(%dma_start3A_44 : memref<15x64xf32, #tpu.memory_space<vmem_shared>>) target_semaphore(%run_scoped3A_36 : memref<!tpu.dma_semaphore, #tpu.memory_space<semaphore_mem>>)
      %dma_wait3A = arith.constant 0 : i32
      %dma_wait3A_49 = arith.constant 0 : i32
      %dma_wait3A_50 = tpu.memref_slice %arg8[%run_scoped3A, %dma_wait3A, %dma_wait3A_49] : memref<2x125x64xf32, #tpu.memory_space<vmem>> -> memref<1x15x64xf32, #tpu.memory_space<vmem>>
      %dma_wait3A_51 = tpu.memref_squeeze %dma_wait3A_50 : memref<1x15x64xf32, #tpu.memory_space<vmem>> -> memref<15x64xf32, #tpu.memory_space<vmem>>
      %dma_wait3A_52 = arith.constant 0 : i32
      %dma_wait3A_53 = tpu.memref_slice %arg11[%add3A_15, %dma_wait3A_52] : memref<10240x64xf32, #tpu.memory_space<vmem_shared>> -> memref<15x64xf32, #tpu.memory_space<vmem_shared>>
      %dma_wait3A_54 = arith.constant 0 : i32
      %dma_wait3A_55 = tpu.memref_slice %arg11[%add3A_15, %dma_wait3A_54] : memref<10240x64xf32, #tpu.memory_space<vmem_shared>> -> memref<15x64xf32, #tpu.memory_space<vmem_shared>>
      %dma_wait3A_56 = arith.constant 0 : i32
      %dma_wait3A_57 = arith.constant 0 : i32
      %dma_wait3A_58 = tpu.memref_slice %arg8[%run_scoped3A, %dma_wait3A_56, %dma_wait3A_57] : memref<2x125x64xf32, #tpu.memory_space<vmem>> -> memref<1x15x64xf32, #tpu.memory_space<vmem>>
      %dma_wait3A_59 = tpu.memref_squeeze %dma_wait3A_58 : memref<1x15x64xf32, #tpu.memory_space<vmem>> -> memref<15x64xf32, #tpu.memory_space<vmem>>
      tpu.wait_dma2 semaphore(%run_scoped3A_36 : memref<!tpu.dma_semaphore, #tpu.memory_space<semaphore_mem>>) src(%dma_wait3A_59 : memref<15x64xf32, #tpu.memory_space<vmem>>) dst(%dma_wait3A_55 : memref<15x64xf32, #tpu.memory_space<vmem_shared>>)
      tpu.yield
    }) : () -> ()
    %barrier3A = arith.constant 0 : index
    tpu.barrier barrier_id(%barrier3A)
    %dma_start3A = arith.constant 0 : i32
    %dma_start3A_16 = arith.constant 0 : i32
    %dma_start3A_17 = arith.constant 0 : i32
    %dma_start3A_18 = arith.constant 0 : i32
    %dma_start3A_19 = arith.constant 0 : i32
    %dma_start3A_20 = tpu.memref_slice %arg8[%dma_start3A_16, %dma_start3A_18, %dma_start3A_19] : memref<2x125x64xf32, #tpu.memory_space<vmem>> -> memref<1x125x64xf32, #tpu.memory_space<vmem>>
    %dma_start3A_21 = tpu.memref_squeeze %dma_start3A_20 : memref<1x125x64xf32, #tpu.memory_space<vmem>> -> memref<125x64xf32, #tpu.memory_space<vmem>>
    %dma_start3A_22 = arith.constant 0 : i32
    %dma_start3A_23 = tpu.memref_slice %arg6[%dma_start3A, %dma_start3A_22] : memref<160x125xi32, #tpu.memory_space<vmem>> -> memref<1x125xi32, #tpu.memory_space<vmem>>
    %dma_start3A_24 = tpu.memref_squeeze %dma_start3A_23 : memref<1x125xi32, #tpu.memory_space<vmem>> -> memref<125xi32, #tpu.memory_space<vmem>>
    %dma_start3A_25 = arith.constant 0 : i32
    %dma_start3A_26 = arith.constant 0 : i32
    %dma_start3A_27 = tpu.memref_slice %arg2[%dma_start3A_25, %dma_start3A_26] : memref<20480x64xf32, #tpu.memory_space<hbm>> -> memref<20480x64xf32, #tpu.memory_space<hbm>>
    %dma_start3A_28 = tpu.memref_slice %arg13[%dma_start3A_17] : memref<2x!tpu.dma_semaphore, #tpu.memory_space<semaphore_mem>> -> memref<1x!tpu.dma_semaphore, #tpu.memory_space<semaphore_mem>>
    %dma_start3A_29 = tpu.memref_squeeze %dma_start3A_28 : memref<1x!tpu.dma_semaphore, #tpu.memory_space<semaphore_mem>> -> memref<!tpu.dma_semaphore, #tpu.memory_space<semaphore_mem>>
    tpu.enqueue_indirect_dma source(%dma_start3A_27 : memref<20480x64xf32, #tpu.memory_space<hbm>>) target(%dma_start3A_21 : memref<125x64xf32, #tpu.memory_space<vmem>>) offsets(%dma_start3A_24 : memref<125xi32, #tpu.memory_space<vmem>>) semaphore(%dma_start3A_29 : memref<!tpu.dma_semaphore, #tpu.memory_space<semaphore_mem>>)
    %scan3A_30 = arith.constant 0 : i32
    %scan3A_31 = arith.constant 80 : i32
    %scan3A_32 = arith.addi %scan3A_30, %scan3A_31 : i32
    %scan3A_33 = arith.constant 1 : i32
    scf.for %scan3A_36 = %scan3A_30 to %scan3A_32 step %scan3A_33  : i32 {
      %mul3A_37 = arith.constant 2 : i32
      %mul3A_38 = arith.muli %scan3A_36, %mul3A_37 : i32
      %add3A_39 = arith.constant 0 : i32
      %add3A_40 = arith.addi %add3A_39, %mul3A_38 : i32
      %add3A_41 = arith.constant 0 : i32
      %add3A_42 = arith.addi %add3A_40, %add3A_41 : i32
      %dma_wait3A = arith.constant 0 : i32
      %dma_wait3A_43 = arith.constant 0 : i32
      %dma_wait3A_44 = arith.constant 0 : i32
      %dma_wait3A_45 = arith.constant 0 : i32
      %dma_wait3A_46 = tpu.memref_slice %arg8[%dma_wait3A, %dma_wait3A_44, %dma_wait3A_45] : memref<2x125x64xf32, #tpu.memory_space<vmem>> -> memref<1x125x64xf32, #tpu.memory_space<vmem>>
      %dma_wait3A_47 = tpu.memref_squeeze %dma_wait3A_46 : memref<1x125x64xf32, #tpu.memory_space<vmem>> -> memref<125x64xf32, #tpu.memory_space<vmem>>
      %dma_wait3A_48 = arith.constant 0 : i32
      %dma_wait3A_49 = tpu.memref_slice %arg6[%add3A_42, %dma_wait3A_48] : memref<160x125xi32, #tpu.memory_space<vmem>> -> memref<1x125xi32, #tpu.memory_space<vmem>>
      %dma_wait3A_50 = tpu.memref_squeeze %dma_wait3A_49 : memref<1x125xi32, #tpu.memory_space<vmem>> -> memref<125xi32, #tpu.memory_space<vmem>>
      %dma_wait3A_51 = arith.constant 0 : i32
      %dma_wait3A_52 = arith.constant 0 : i32
      %dma_wait3A_53 = tpu.memref_slice %arg2[%dma_wait3A_51, %dma_wait3A_52] : memref<20480x64xf32, #tpu.memory_space<hbm>> -> memref<20480x64xf32, #tpu.memory_space<hbm>>
      %dma_wait3A_54 = tpu.memref_slice %arg13[%dma_wait3A_43] : memref<2x!tpu.dma_semaphore, #tpu.memory_space<semaphore_mem>> -> memref<1x!tpu.dma_semaphore, #tpu.memory_space<semaphore_mem>>
      %dma_wait3A_55 = tpu.memref_squeeze %dma_wait3A_54 : memref<1x!tpu.dma_semaphore, #tpu.memory_space<semaphore_mem>> -> memref<!tpu.dma_semaphore, #tpu.memory_space<semaphore_mem>>
      tpu.wait_indirect_dma semaphore(%dma_wait3A_55 : memref<!tpu.dma_semaphore, #tpu.memory_space<semaphore_mem>>) src(%dma_wait3A_53 : memref<20480x64xf32, #tpu.memory_space<hbm>>) dst(%dma_wait3A_47 : memref<125x64xf32, #tpu.memory_space<vmem>>)
      %add3A_56 = arith.constant 1 : i32
      %add3A_57 = arith.addi %add3A_42, %add3A_56 : i32
      %lt3A = arith.constant 160 : i32
      %lt3A_58 = arith.cmpi slt, %add3A_57, %lt3A : i32
      %convert_element_type3A = arith.extui %lt3A_58 : i1 to i32
      %cond3A = arith.constant 0 : i32
      %cond3A_59 = arith.cmpi ne, %convert_element_type3A, %cond3A : i32
      scf.if %cond3A_59 {
        %add3A_85 = arith.constant 1 : i32
        %add3A_86 = arith.addi %add3A_42, %add3A_85 : i32
        %dma_start3A_87 = arith.constant 1 : i32
        %dma_start3A_88 = arith.constant 1 : i32
        %dma_start3A_89 = arith.constant 0 : i32
        %dma_start3A_90 = arith.constant 0 : i32
        %dma_start3A_91 = tpu.memref_slice %arg8[%dma_start3A_87, %dma_start3A_89, %dma_start3A_90] : memref<2x125x64xf32, #tpu.memory_space<vmem>> -> memref<1x125x64xf32, #tpu.memory_space<vmem>>
        %dma_start3A_92 = tpu.memref_squeeze %dma_start3A_91 : memref<1x125x64xf32, #tpu.memory_space<vmem>> -> memref<125x64xf32, #tpu.memory_space<vmem>>
        %dma_start3A_93 = arith.constant 0 : i32
        %dma_start3A_94 = tpu.memref_slice %arg6[%add3A_86, %dma_start3A_93] : memref<160x125xi32, #tpu.memory_space<vmem>> -> memref<1x125xi32, #tpu.memory_space<vmem>>
        %dma_start3A_95 = tpu.memref_squeeze %dma_start3A_94 : memref<1x125xi32, #tpu.memory_space<vmem>> -> memref<125xi32, #tpu.memory_space<vmem>>
        %dma_start3A_96 = arith.constant 0 : i32
        %dma_start3A_97 = arith.constant 0 : i32
        %dma_start3A_98 = tpu.memref_slice %arg2[%dma_start3A_96, %dma_start3A_97] : memref<20480x64xf32, #tpu.memory_space<hbm>> -> memref<20480x64xf32, #tpu.memory_space<hbm>>
        %dma_start3A_99 = tpu.memref_slice %arg13[%dma_start3A_88] : memref<2x!tpu.dma_semaphore, #tpu.memory_space<semaphore_mem>> -> memref<1x!tpu.dma_semaphore, #tpu.memory_space<semaphore_mem>>
        %dma_start3A_100 = tpu.memref_squeeze %dma_start3A_99 : memref<1x!tpu.dma_semaphore, #tpu.memory_space<semaphore_mem>> -> memref<!tpu.dma_semaphore, #tpu.memory_space<semaphore_mem>>
        tpu.enqueue_indirect_dma source(%dma_start3A_98 : memref<20480x64xf32, #tpu.memory_space<hbm>>) target(%dma_start3A_92 : memref<125x64xf32, #tpu.memory_space<vmem>>) offsets(%dma_start3A_95 : memref<125xi32, #tpu.memory_space<vmem>>) semaphore(%dma_start3A_100 : memref<!tpu.dma_semaphore, #tpu.memory_space<semaphore_mem>>)
      } else {
      }
      %run_scoped3A_60 = arith.constant 0 : i32
      "tpu.region"() ({
        %run_scoped3A_85 = tpu.sem_alloc : memref<!tpu.dma_semaphore, #tpu.memory_space<semaphore_mem>>
        %dma_start3A_86 = arith.constant 0 : i32
        %dma_start3A_87 = arith.constant 0 : i32
        %dma_start3A_88 = tpu.memref_slice %arg8[%run_scoped3A_60, %dma_start3A_86, %dma_start3A_87] : memref<2x125x64xf32, #tpu.memory_space<vmem>> -> memref<1x125x64xf32, #tpu.memory_space<vmem>>
        %dma_start3A_89 = tpu.memref_squeeze %dma_start3A_88 : memref<1x125x64xf32, #tpu.memory_space<vmem>> -> memref<125x64xf32, #tpu.memory_space<vmem>>
        %dma_start3A_90 = arith.constant 0 : i32
        %dma_start3A_91 = tpu.memref_slice %arg7[%add3A_42, %dma_start3A_90] : memref<160x125xi32, #tpu.memory_space<vmem>> -> memref<1x125xi32, #tpu.memory_space<vmem>>
        %dma_start3A_92 = tpu.memref_squeeze %dma_start3A_91 : memref<1x125xi32, #tpu.memory_space<vmem>> -> memref<125xi32, #tpu.memory_space<vmem>>
        %dma_start3A_93 = arith.constant 0 : i32
        %dma_start3A_94 = arith.constant 0 : i32
        %dma_start3A_95 = tpu.memref_slice %arg11[%dma_start3A_93, %dma_start3A_94] : memref<10240x64xf32, #tpu.memory_space<vmem_shared>> -> memref<10240x64xf32, #tpu.memory_space<vmem_shared>>
        tpu.enqueue_indirect_dma source(%dma_start3A_89 : memref<125x64xf32, #tpu.memory_space<vmem>>) target(%dma_start3A_95 : memref<10240x64xf32, #tpu.memory_space<vmem_shared>>) offsets(%dma_start3A_92 : memref<125xi32, #tpu.memory_space<vmem>>) semaphore(%run_scoped3A_85 : memref<!tpu.dma_semaphore, #tpu.memory_space<semaphore_mem>>) {add = true}
        %dma_wait3A_96 = arith.constant 0 : i32
        %dma_wait3A_97 = arith.constant 0 : i32
        %dma_wait3A_98 = tpu.memref_slice %arg8[%run_scoped3A_60, %dma_wait3A_96, %dma_wait3A_97] : memref<2x125x64xf32, #tpu.memory_space<vmem>> -> memref<1x125x64xf32, #tpu.memory_space<vmem>>
        %dma_wait3A_99 = tpu.memref_squeeze %dma_wait3A_98 : memref<1x125x64xf32, #tpu.memory_space<vmem>> -> memref<125x64xf32, #tpu.memory_space<vmem>>
        %dma_wait3A_100 = arith.constant 0 : i32
        %dma_wait3A_101 = tpu.memref_slice %arg7[%add3A_42, %dma_wait3A_100] : memref<160x125xi32, #tpu.memory_space<vmem>> -> memref<1x125xi32, #tpu.memory_space<vmem>>
        %dma_wait3A_102 = tpu.memref_squeeze %dma_wait3A_101 : memref<1x125xi32, #tpu.memory_space<vmem>> -> memref<125xi32, #tpu.memory_space<vmem>>
        %dma_wait3A_103 = arith.constant 0 : i32
        %dma_wait3A_104 = arith.constant 0 : i32
        %dma_wait3A_105 = tpu.memref_slice %arg11[%dma_wait3A_103, %dma_wait3A_104] : memref<10240x64xf32, #tpu.memory_space<vmem_shared>> -> memref<10240x64xf32, #tpu.memory_space<vmem_shared>>
        tpu.wait_indirect_dma semaphore(%run_scoped3A_85 : memref<!tpu.dma_semaphore, #tpu.memory_space<semaphore_mem>>) src(%dma_wait3A_99 : memref<125x64xf32, #tpu.memory_space<vmem>>) dst(%dma_wait3A_105 : memref<10240x64xf32, #tpu.memory_space<vmem_shared>>)
        tpu.yield
      }) : () -> ()
      %add3A_61 = arith.constant 1 : i32
      %add3A_62 = arith.addi %add3A_40, %add3A_61 : i32
      %dma_wait3A_63 = arith.constant 1 : i32
      %dma_wait3A_64 = arith.constant 1 : i32
      %dma_wait3A_65 = arith.constant 0 : i32
      %dma_wait3A_66 = arith.constant 0 : i32
      %dma_wait3A_67 = tpu.memref_slice %arg8[%dma_wait3A_63, %dma_wait3A_65, %dma_wait3A_66] : memref<2x125x64xf32, #tpu.memory_space<vmem>> -> memref<1x125x64xf32, #tpu.memory_space<vmem>>
      %dma_wait3A_68 = tpu.memref_squeeze %dma_wait3A_67 : memref<1x125x64xf32, #tpu.memory_space<vmem>> -> memref<125x64xf32, #tpu.memory_space<vmem>>
      %dma_wait3A_69 = arith.constant 0 : i32
      %dma_wait3A_70 = tpu.memref_slice %arg6[%add3A_62, %dma_wait3A_69] : memref<160x125xi32, #tpu.memory_space<vmem>> -> memref<1x125xi32, #tpu.memory_space<vmem>>
      %dma_wait3A_71 = tpu.memref_squeeze %dma_wait3A_70 : memref<1x125xi32, #tpu.memory_space<vmem>> -> memref<125xi32, #tpu.memory_space<vmem>>
      %dma_wait3A_72 = arith.constant 0 : i32
      %dma_wait3A_73 = arith.constant 0 : i32
      %dma_wait3A_74 = tpu.memref_slice %arg2[%dma_wait3A_72, %dma_wait3A_73] : memref<20480x64xf32, #tpu.memory_space<hbm>> -> memref<20480x64xf32, #tpu.memory_space<hbm>>
      %dma_wait3A_75 = tpu.memref_slice %arg13[%dma_wait3A_64] : memref<2x!tpu.dma_semaphore, #tpu.memory_space<semaphore_mem>> -> memref<1x!tpu.dma_semaphore, #tpu.memory_space<semaphore_mem>>
      %dma_wait3A_76 = tpu.memref_squeeze %dma_wait3A_75 : memref<1x!tpu.dma_semaphore, #tpu.memory_space<semaphore_mem>> -> memref<!tpu.dma_semaphore, #tpu.memory_space<semaphore_mem>>
      tpu.wait_indirect_dma semaphore(%dma_wait3A_76 : memref<!tpu.dma_semaphore, #tpu.memory_space<semaphore_mem>>) src(%dma_wait3A_74 : memref<20480x64xf32, #tpu.memory_space<hbm>>) dst(%dma_wait3A_68 : memref<125x64xf32, #tpu.memory_space<vmem>>)
      %add3A_77 = arith.constant 1 : i32
      %add3A_78 = arith.addi %add3A_62, %add3A_77 : i32
      %lt3A_79 = arith.constant 160 : i32
      %lt3A_80 = arith.cmpi slt, %add3A_78, %lt3A_79 : i32
      %convert_element_type3A_81 = arith.extui %lt3A_80 : i1 to i32
      %cond3A_82 = arith.constant 0 : i32
      %cond3A_83 = arith.cmpi ne, %convert_element_type3A_81, %cond3A_82 : i32
      scf.if %cond3A_83 {
        %add3A_85 = arith.constant 1 : i32
        %add3A_86 = arith.addi %add3A_62, %add3A_85 : i32
        %dma_start3A_87 = arith.constant 0 : i32
        %dma_start3A_88 = arith.constant 0 : i32
        %dma_start3A_89 = arith.constant 0 : i32
        %dma_start3A_90 = arith.constant 0 : i32
        %dma_start3A_91 = tpu.memref_slice %arg8[%dma_start3A_87, %dma_start3A_89, %dma_start3A_90] : memref<2x125x64xf32, #tpu.memory_space<vmem>> -> memref<1x125x64xf32, #tpu.memory_space<vmem>>
        %dma_start3A_92 = tpu.memref_squeeze %dma_start3A_91 : memref<1x125x64xf32, #tpu.memory_space<vmem>> -> memref<125x64xf32, #tpu.memory_space<vmem>>
        %dma_start3A_93 = arith.constant 0 : i32
        %dma_start3A_94 = tpu.memref_slice %arg6[%add3A_86, %dma_start3A_93] : memref<160x125xi32, #tpu.memory_space<vmem>> -> memref<1x125xi32, #tpu.memory_space<vmem>>
        %dma_start3A_95 = tpu.memref_squeeze %dma_start3A_94 : memref<1x125xi32, #tpu.memory_space<vmem>> -> memref<125xi32, #tpu.memory_space<vmem>>
        %dma_start3A_96 = arith.constant 0 : i32
        %dma_start3A_97 = arith.constant 0 : i32
        %dma_start3A_98 = tpu.memref_slice %arg2[%dma_start3A_96, %dma_start3A_97] : memref<20480x64xf32, #tpu.memory_space<hbm>> -> memref<20480x64xf32, #tpu.memory_space<hbm>>
        %dma_start3A_99 = tpu.memref_slice %arg13[%dma_start3A_88] : memref<2x!tpu.dma_semaphore, #tpu.memory_space<semaphore_mem>> -> memref<1x!tpu.dma_semaphore, #tpu.memory_space<semaphore_mem>>
        %dma_start3A_100 = tpu.memref_squeeze %dma_start3A_99 : memref<1x!tpu.dma_semaphore, #tpu.memory_space<semaphore_mem>> -> memref<!tpu.dma_semaphore, #tpu.memory_space<semaphore_mem>>
        tpu.enqueue_indirect_dma source(%dma_start3A_98 : memref<20480x64xf32, #tpu.memory_space<hbm>>) target(%dma_start3A_92 : memref<125x64xf32, #tpu.memory_space<vmem>>) offsets(%dma_start3A_95 : memref<125xi32, #tpu.memory_space<vmem>>) semaphore(%dma_start3A_100 : memref<!tpu.dma_semaphore, #tpu.memory_space<semaphore_mem>>)
      } else {
      }
      %run_scoped3A_84 = arith.constant 1 : i32
      "tpu.region"() ({
        %run_scoped3A_85 = tpu.sem_alloc : memref<!tpu.dma_semaphore, #tpu.memory_space<semaphore_mem>>
        %dma_start3A_86 = arith.constant 0 : i32
        %dma_start3A_87 = arith.constant 0 : i32
        %dma_start3A_88 = tpu.memref_slice %arg8[%run_scoped3A_84, %dma_start3A_86, %dma_start3A_87] : memref<2x125x64xf32, #tpu.memory_space<vmem>> -> memref<1x125x64xf32, #tpu.memory_space<vmem>>
        %dma_start3A_89 = tpu.memref_squeeze %dma_start3A_88 : memref<1x125x64xf32, #tpu.memory_space<vmem>> -> memref<125x64xf32, #tpu.memory_space<vmem>>
        %dma_start3A_90 = arith.constant 0 : i32
        %dma_start3A_91 = tpu.memref_slice %arg7[%add3A_62, %dma_start3A_90] : memref<160x125xi32, #tpu.memory_space<vmem>> -> memref<1x125xi32, #tpu.memory_space<vmem>>
        %dma_start3A_92 = tpu.memref_squeeze %dma_start3A_91 : memref<1x125xi32, #tpu.memory_space<vmem>> -> memref<125xi32, #tpu.memory_space<vmem>>
        %dma_start3A_93 = arith.constant 0 : i32
        %dma_start3A_94 = arith.constant 0 : i32
        %dma_start3A_95 = tpu.memref_slice %arg11[%dma_start3A_93, %dma_start3A_94] : memref<10240x64xf32, #tpu.memory_space<vmem_shared>> -> memref<10240x64xf32, #tpu.memory_space<vmem_shared>>
        tpu.enqueue_indirect_dma source(%dma_start3A_89 : memref<125x64xf32, #tpu.memory_space<vmem>>) target(%dma_start3A_95 : memref<10240x64xf32, #tpu.memory_space<vmem_shared>>) offsets(%dma_start3A_92 : memref<125xi32, #tpu.memory_space<vmem>>) semaphore(%run_scoped3A_85 : memref<!tpu.dma_semaphore, #tpu.memory_space<semaphore_mem>>) {add = true}
        %dma_wait3A_96 = arith.constant 0 : i32
        %dma_wait3A_97 = arith.constant 0 : i32
        %dma_wait3A_98 = tpu.memref_slice %arg8[%run_scoped3A_84, %dma_wait3A_96, %dma_wait3A_97] : memref<2x125x64xf32, #tpu.memory_space<vmem>> -> memref<1x125x64xf32, #tpu.memory_space<vmem>>
        %dma_wait3A_99 = tpu.memref_squeeze %dma_wait3A_98 : memref<1x125x64xf32, #tpu.memory_space<vmem>> -> memref<125x64xf32, #tpu.memory_space<vmem>>
        %dma_wait3A_100 = arith.constant 0 : i32
        %dma_wait3A_101 = tpu.memref_slice %arg7[%add3A_62, %dma_wait3A_100] : memref<160x125xi32, #tpu.memory_space<vmem>> -> memref<1x125xi32, #tpu.memory_space<vmem>>
        %dma_wait3A_102 = tpu.memref_squeeze %dma_wait3A_101 : memref<1x125xi32, #tpu.memory_space<vmem>> -> memref<125xi32, #tpu.memory_space<vmem>>
        %dma_wait3A_103 = arith.constant 0 : i32
        %dma_wait3A_104 = arith.constant 0 : i32
        %dma_wait3A_105 = tpu.memref_slice %arg11[%dma_wait3A_103, %dma_wait3A_104] : memref<10240x64xf32, #tpu.memory_space<vmem_shared>> -> memref<10240x64xf32, #tpu.memory_space<vmem_shared>>
        tpu.wait_indirect_dma semaphore(%run_scoped3A_85 : memref<!tpu.dma_semaphore, #tpu.memory_space<semaphore_mem>>) src(%dma_wait3A_99 : memref<125x64xf32, #tpu.memory_space<vmem>>) dst(%dma_wait3A_105 : memref<10240x64xf32, #tpu.memory_space<vmem_shared>>)
        tpu.yield
      }) : () -> ()
    }
    %scan3A_34 = arith.constant 80 : i32
    %barrier3A_35 = arith.constant 0 : index
    tpu.barrier barrier_id(%barrier3A_35)
    "tpu.region"() ({
      %run_scoped3A_36 = tpu.sem_alloc : memref<!tpu.dma_semaphore, #tpu.memory_space<semaphore_mem>>
      %dma_start3A_37 = arith.constant 0 : i32
      %dma_start3A_38 = tpu.memref_slice %arg5[%mul3A_9, %arg0, %dma_start3A_37] : memref<10240x2x64xf32, #tpu.memory_space<hbm>> -> memref<640x1x64xf32, #tpu.memory_space<hbm>>
      %dma_start3A_39 = tpu.memref_squeeze %dma_start3A_38 : memref<640x1x64xf32, #tpu.memory_space<hbm>> -> memref<640x64xf32, #tpu.memory_space<hbm>>
      %dma_start3A_40 = arith.constant 0 : i32
      %dma_start3A_41 = tpu.memref_slice %arg11[%mul3A_9, %dma_start3A_40] : memref<10240x64xf32, #tpu.memory_space<vmem_shared>> -> memref<640x64xf32, #tpu.memory_space<vmem_shared>>
      tpu.enqueue_dma source(%dma_start3A_41 : memref<640x64xf32, #tpu.memory_space<vmem_shared>>) target(%dma_start3A_39 : memref<640x64xf32, #tpu.memory_space<hbm>>) target_semaphore(%run_scoped3A_36 : memref<!tpu.dma_semaphore, #tpu.memory_space<semaphore_mem>>)
      %dma_wait3A = arith.constant 0 : i32
      %dma_wait3A_42 = tpu.memref_slice %arg5[%mul3A_9, %arg0, %dma_wait3A] : memref<10240x2x64xf32, #tpu.memory_space<hbm>> -> memref<640x1x64xf32, #tpu.memory_space<hbm>>
      %dma_wait3A_43 = tpu.memref_squeeze %dma_wait3A_42 : memref<640x1x64xf32, #tpu.memory_space<hbm>> -> memref<640x64xf32, #tpu.memory_space<hbm>>
      %dma_wait3A_44 = arith.constant 0 : i32
      %dma_wait3A_45 = tpu.memref_slice %arg11[%mul3A_9, %dma_wait3A_44] : memref<10240x64xf32, #tpu.memory_space<vmem_shared>> -> memref<640x64xf32, #tpu.memory_space<vmem_shared>>
      tpu.wait_dma2 semaphore(%run_scoped3A_36 : memref<!tpu.dma_semaphore, #tpu.memory_space<semaphore_mem>>) src(%dma_wait3A_45 : memref<640x64xf32, #tpu.memory_space<vmem_shared>>) dst(%dma_wait3A_43 : memref<640x64xf32, #tpu.memory_space<hbm>>)
      tpu.yield
    }) : () -> ()
    return
  }
}

module attributes {stable_mosaic.version = 14 : i64} {
  func.func @_update1_body(%arg0: memref<10240x128xf32, #tpu.memory_space<vmem>>, %arg1: memref<10240x32xf32, #tpu.memory_space<vmem>>, %arg2: memref<128x128xf32, #tpu.memory_space<vmem>>, %arg3: memref<1x128xf32, #tpu.memory_space<vmem>>, %arg4: memref<10240x128xf32, #tpu.memory_space<vmem>>) attributes {dimension_semantics = [], scalar_prefetch = 0 : i64, scratch_operands = 0 : i64, tpu.core_type = #tpu.core_type<tc>} {
    %get3A = arith.constant 0 : index
    %get3A_0 = arith.constant 0 : index
    %get3A_1 = vector.load %arg0[%get3A, %get3A_0] : memref<10240x128xf32, #tpu.memory_space<vmem>>, vector<10240x128xf32>
    %get3A_2 = arith.constant 0 : index
    %get3A_3 = arith.constant 0 : index
    %get3A_4 = vector.load %arg1[%get3A_2, %get3A_3] : memref<10240x32xf32, #tpu.memory_space<vmem>>, vector<10240x1xf32>
    %get3A_5 = arith.constant 0 : index
    %get3A_6 = arith.constant 16 : index
    %get3A_7 = vector.load %arg1[%get3A_5, %get3A_6] : memref<10240x32xf32, #tpu.memory_space<vmem>>, vector<10240x1xf32>
    %add3A = arith.addf %get3A_4, %get3A_7 : vector<10240x1xf32>
    %max3A = arith.constant 1.000000e+00 : f32
    %max3A_8 = vector.broadcast %max3A : f32 to vector<10240x1xf32>
    %max3A_9 = arith.maximumf %add3A, %max3A_8 : vector<10240x1xf32>
    %div3A = arith.constant 1.000000e+00 : f32
    %div3A_10 = vector.broadcast %div3A : f32 to vector<10240x1xf32>
    %div3A_11 = arith.divf %div3A_10, %max3A_9 : vector<10240x1xf32>
    %mul3A = vector.broadcast %div3A_11 : vector<10240x1xf32> to vector<10240x128xf32>
    %mul3A_12 = arith.mulf %get3A_1, %mul3A : vector<10240x128xf32>
    %get3A_13 = arith.constant 0 : index
    %get3A_14 = arith.constant 0 : index
    %get3A_15 = vector.load %arg2[%get3A_13, %get3A_14] : memref<128x128xf32, #tpu.memory_space<vmem>>, vector<128x128xf32>
    %dot_general3A = arith.constant dense<0.000000e+00> : vector<10240x128xf32>
    %dot_general3A_16 = tpu.matmul %mul3A_12, %get3A_15, %dot_general3A {dimension_numbers = #tpu.dot_dimension_numbers<[1], [0], [0], [1], [0, 0, 1, 1], [], []>, transpose_lhs_hint = false} : vector<10240x128xf32>, vector<128x128xf32>, vector<10240x128xf32> -> vector<10240x128xf32>
    %get3A_17 = arith.constant 0 : index
    %get3A_18 = arith.constant 0 : index
    %get3A_19 = vector.load %arg3[%get3A_17, %get3A_18] : memref<1x128xf32, #tpu.memory_space<vmem>>, vector<1x128xf32>
    %add3A_20 = vector.broadcast %get3A_19 : vector<1x128xf32> to vector<10240x128xf32>
    %add3A_21 = arith.addf %dot_general3A_16, %add3A_20 : vector<10240x128xf32>
    %max3A_22 = arith.constant 0.000000e+00 : f32
    %max3A_23 = vector.broadcast %max3A_22 : f32 to vector<10240x128xf32>
    %max3A_24 = arith.maximumf %add3A_21, %max3A_23 : vector<10240x128xf32>
    %swap3A = arith.constant 0 : index
    %swap3A_25 = arith.constant 0 : index
    %swap3A_26 = vector.load %arg4[%swap3A, %swap3A_25] : memref<10240x128xf32, #tpu.memory_space<vmem>>, vector<10240x128xf32>
    tpu.vector_store %arg4[%swap3A, %swap3A_25], %max3A_24 {strides = array<i32>} : memref<10240x128xf32, #tpu.memory_space<vmem>>, vector<10240x128xf32>,
    return
  }
}

module attributes {stable_mosaic.version = 14 : i64} {
  func.func @_update2_body(%arg0: memref<10240x128xf32, #tpu.memory_space<vmem>>, %arg1: memref<10240x32xf32, #tpu.memory_space<vmem>>, %arg2: memref<128x128xf32, #tpu.memory_space<vmem>>, %arg3: memref<1x128xf32, #tpu.memory_space<vmem>>, %arg4: memref<128x128xf32, #tpu.memory_space<vmem>>, %arg5: memref<1x128xf32, #tpu.memory_space<vmem>>, %arg6: memref<10000x128xf32, #tpu.memory_space<vmem>>) attributes {dimension_semantics = [], scalar_prefetch = 0 : i64, scratch_operands = 0 : i64, tpu.core_type = #tpu.core_type<tc>} {
    %get3A = arith.constant 0 : index
    %get3A_0 = arith.constant 0 : index
    %get3A_1 = vector.load %arg0[%get3A, %get3A_0] : memref<10240x128xf32, #tpu.memory_space<vmem>>, vector<10000x128xf32>
    %get3A_2 = arith.constant 0 : index
    %get3A_3 = arith.constant 0 : index
    %get3A_4 = vector.load %arg1[%get3A_2, %get3A_3] : memref<10240x32xf32, #tpu.memory_space<vmem>>, vector<10000x1xf32>
    %get3A_5 = arith.constant 0 : index
    %get3A_6 = arith.constant 16 : index
    %get3A_7 = vector.load %arg1[%get3A_5, %get3A_6] : memref<10240x32xf32, #tpu.memory_space<vmem>>, vector<10000x1xf32>
    %add3A = arith.addf %get3A_4, %get3A_7 : vector<10000x1xf32>
    %max3A = arith.constant 1.000000e+00 : f32
    %max3A_8 = vector.broadcast %max3A : f32 to vector<10000x1xf32>
    %max3A_9 = arith.maximumf %add3A, %max3A_8 : vector<10000x1xf32>
    %div3A = arith.constant 1.000000e+00 : f32
    %div3A_10 = vector.broadcast %div3A : f32 to vector<10000x1xf32>
    %div3A_11 = arith.divf %div3A_10, %max3A_9 : vector<10000x1xf32>
    %mul3A = vector.broadcast %div3A_11 : vector<10000x1xf32> to vector<10000x128xf32>
    %mul3A_12 = arith.mulf %get3A_1, %mul3A : vector<10000x128xf32>
    %get3A_13 = arith.constant 0 : index
    %get3A_14 = arith.constant 0 : index
    %get3A_15 = vector.load %arg2[%get3A_13, %get3A_14] : memref<128x128xf32, #tpu.memory_space<vmem>>, vector<128x128xf32>
    %dot_general3A = arith.constant dense<0.000000e+00> : vector<10000x128xf32>
    %dot_general3A_16 = tpu.matmul %mul3A_12, %get3A_15, %dot_general3A {dimension_numbers = #tpu.dot_dimension_numbers<[1], [0], [0], [1], [0, 0, 1, 1], [], []>, transpose_lhs_hint = false} : vector<10000x128xf32>, vector<128x128xf32>, vector<10000x128xf32> -> vector<10000x128xf32>
    %get3A_17 = arith.constant 0 : index
    %get3A_18 = arith.constant 0 : index
    %get3A_19 = vector.load %arg3[%get3A_17, %get3A_18] : memref<1x128xf32, #tpu.memory_space<vmem>>, vector<1x128xf32>
    %add3A_20 = vector.broadcast %get3A_19 : vector<1x128xf32> to vector<10000x128xf32>
    %add3A_21 = arith.addf %dot_general3A_16, %add3A_20 : vector<10000x128xf32>
    %max3A_22 = arith.constant 0.000000e+00 : f32
    %max3A_23 = vector.broadcast %max3A_22 : f32 to vector<10000x128xf32>
    %max3A_24 = arith.maximumf %add3A_21, %max3A_23 : vector<10000x128xf32>
    %get3A_25 = arith.constant 0 : index
    %get3A_26 = arith.constant 0 : index
    %get3A_27 = vector.load %arg4[%get3A_25, %get3A_26] : memref<128x128xf32, #tpu.memory_space<vmem>>, vector<128x128xf32>
    %dot_general3A_28 = arith.constant dense<0.000000e+00> : vector<10000x128xf32>
    %dot_general3A_29 = tpu.matmul %max3A_24, %get3A_27, %dot_general3A_28 {dimension_numbers = #tpu.dot_dimension_numbers<[1], [0], [0], [1], [0, 0, 1, 1], [], []>, transpose_lhs_hint = false} : vector<10000x128xf32>, vector<128x128xf32>, vector<10000x128xf32> -> vector<10000x128xf32>
    %get3A_30 = arith.constant 0 : index
    %get3A_31 = arith.constant 0 : index
    %get3A_32 = vector.load %arg5[%get3A_30, %get3A_31] : memref<1x128xf32, #tpu.memory_space<vmem>>, vector<1x128xf32>
    %add3A_33 = vector.broadcast %get3A_32 : vector<1x128xf32> to vector<10000x128xf32>
    %add3A_34 = arith.addf %dot_general3A_29, %add3A_33 : vector<10000x128xf32>
    %swap3A = arith.constant 0 : index
    %swap3A_35 = arith.constant 0 : index
    %swap3A_36 = vector.load %arg6[%swap3A, %swap3A_35] : memref<10000x128xf32, #tpu.memory_space<vmem>>, vector<10000x128xf32>
    tpu.vector_store %arg6[%swap3A, %swap3A_35], %add3A_34 {strides = array<i32>} : memref<10000x128xf32, #tpu.memory_space<vmem>>, vector<10000x128xf32>,
    return
  }
}

</mosaic_0001>

<sc_bundles>
// kernel: kernel.6.cloned.1.call-start
scs
__scs_entry_jumppad:
0x0: {  	(pc) =	sbr.rel $0x88, $3  }
0x1: {  	(tag) =	ssettag $0x0;
	lr =	simm.s32 $0x1  }
0x2: {  	[smem:$0x3F99] =	sst lr;
	_ =	strace $0xD0000000  }
0x3: {  	_ = 	snop  }
0x4: {  	_ = 	snop  }
0x5: {  	_ = 	snop  }
0x6: {  	_ = 	snop  }
0x7: {  	_ = 	snop  }
__scs_overlays_trampoline_lowered:
0x8: {  	[smem:$0x3FA8] =	sst s0  }
0x9: {  	[smem:$0x3FA9] =	sst s1  }
0xa: {  	[smem:$0x3FAA] =	sst s2  }
0xb: {  	[smem:$0x3FAB] =	sst s3  }
0xc: {  	[smem:$0x3FAC] =	sst s4  }
0xd: {  	[smem:$0x3FAD] =	sst s5  }
0xe: {  	[smem:$0x3FAE] =	sst s6  }
0xf: {  	[smem:$0x3FAF] =	sst s7  }
0x10: {  	[smem:$0x3FB0] =	sst s8  }
0x11: {  	[smem:$0x3FB1] =	sst s9;
	s0 =	simm.s32 @!p0 $0x0  }
0x12: {  	s1 =	sld [smem:$0x3F97];
	s0 =	simm.s32 @p0 $0x1  }
0x13: {  	[smem:$0x3FB2] =	sst s0;
	s0 =	simm.s32 @!p1 $0x0  }
0x14: {  	s2 =	sld [smem:$0x3F96];
	s0 =	simm.s32 @p1 $0x1  }
0x15: {  	[smem:$0x3FB3] =	sst s0;
	s0 =	simm.s32 @!p2 $0x0  }
0x16: {  	s3 =	sld [smem:$0x3FDB];
	s0 =	simm.s32 @p2 $0x1  }
0x17: {  	s4 =	simm.s32 $0x1BF5;
	[smem:$0x3FB5] =	sst s0  }
0x18: {  	s0 =	sld [smem:$0x3F98];
	_ =	swait.ge [sflag:s4], $0x0  }
0x19: {  	s7 =	sld [smem:$0x3F99]  }
0x1a: {  	s8 =	sadd.s32 $0xFFFFE003, lr  }
0x1b: {  	s9 =	sadd.s32 $0xFFFFFEF7, lr;
	s5 =	simm.s32 $0xFFFFFFFF;
	p2 =	slt.u32 s8, $0xFFFFF086  }
0x1c: {  	p1 =	slt.u32 s9, $0xF7A;
	s5 =	simm.s32 @!p2 $0x0  }
0x1d: {  	s5 =	simm.s32 @p1 $0x1;
	p0 =	seq.s32 s7, s2  }
0x1e: {  	s7 =	smul.u32 @!p0 $0xF7A, s2;
	p2 =	seq.s32 @!p0 s5, $0x0  }
0x1f: {  	s9 =	smul.u32 $0xF7A, s1;
	s8 =	simm.s32 @!p0 $0x1BF5;
	p2 =	por !p2, p0  }
0x20: {  	[sflag:s8] =	ssyncset.s32 @!p0 $0xFFFFF086;
	s6 =	sadd.s32 @!p0 s3, s7;
	s7 =	simm.s32 @!p0 $0x108  }
0x21: {  	s3 =	sadd.s32 s3, s9;
	s6 =	sadd.s32 @!p0 $0x88, s6;
	s7 =	simm.s32 @p2 $0x1082  }
0x22: {  	[simem:s7], [sflag:s8] =	dma.local @!p0 [hbm:s6], $0xF7A  }
0x23: {  	s9 =	sor.u32 $0xD0000000, s2;
	s6 =	simm.s32 $0x108;
	_ =	swait.ge @!p0 [sflag:s8], $0x0  }
0x24: {  	s3 =	sadd.s32 $0x88, s3;
	s6 =	simm.s32 @!p1 $0x1082;
	[sflag:s4] =	ssyncset.s32 $0xFFFFF086  }
0x25: {  	[simem:s6], [sflag:s4] =	dma.local [hbm:s3], $0xF7A  }
0x26: {  	[smem:$0x3F99] =	sst s1;
	(tag) =	ssettag s2;
	_ =	strace s9  }
0x27: {  	s1 =	sld [smem:$0x3FA9]  }
0x28: {  	s2 =	sld [smem:$0x3FAA]  }
0x29: {  	s4 =	sld [smem:$0x3FAC]  }
0x2a: {  	p0 =	seq.s32 s5, $0x0;
	s5 =	sld [smem:$0x3FAD]  }
0x2b: {  	s6 =	sld [smem:$0x3FAE]  }
0x2c: {  	s7 =	sld [smem:$0x3FAF]  }
0x2d: {  	s3 =	simm.s32 $0x108;
	s8 =	sld [smem:$0x3FB0]  }
0x2e: {  	s3 =	simm.s32 @!p0 $0x1082;
	s9 =	sld [smem:$0x3FB1]  }
0x2f: {  	lr =	sadd.s32 s0, s3;
	s0 =	sld [smem:$0x3FA8]  }
0x30: {  	s3 =	sld [smem:$0x3FAB]  }
0x31: {  	[smem:$0x3FB4] =	sst s10  }
0x32: {  	s10 =	sld [smem:$0x3FB2];
	_ =	sdelay $0x3  }
0x33: {  	p0 =	seq.s32 s10, $0x1;
	s10 =	sld [smem:$0x3FB4];
	_ =	sdelay $0x3  }
0x34: {  	[smem:$0x3FB4] =	sst s10  }
0x35: {  	s10 =	sld [smem:$0x3FB3];
	_ =	sdelay $0x3  }
0x36: {  	p1 =	seq.s32 s10, $0x1;
	s10 =	sld [smem:$0x3FB4];
	_ =	sdelay $0x3  }
0x37: {  	[smem:$0x3FB4] =	sst s10  }
0x38: {  	s10 =	sld [smem:$0x3FB5]  }
0x39: {  	_ = 	snop;
	(pc) =	sbr.ind lr, $3  }
0x3a: {  	_ = 	snop  }
0x3b: {  	_ = 	snop  }
0x3c: {  	p2 =	seq.s32 s10, $0x1;
	s10 =	sld [smem:$0x3FB4]  }
0x3d: {  	_ =	shalt  }
0x3e: {  	_ =	shalt  }
0x3f: {  	_ =	shalt  }
0x40: {  	_ =	shalt  }
0x41: {  	_ =	shalt  }
0x42: {  	_ =	shalt  }
0x43: {  	_ =	shalt  }
0x44: {  	_ =	shalt  }
0x45: {  	_ =	shalt  }
0x46: {  	_ =	shalt  }
0x47: {  	_ =	shalt  }
0x48: {  	_ =	shalt  }
0x49: {  	_ =	shalt  }
0x4a: {  	_ =	shalt  }
0x4b: {  	_ =	shalt  }
0x4c: {  	_ =	shalt  }
0x4d: {  	_ =	shalt  }
0x4e: {  	_ =	shalt  }
0x4f: {  	_ =	shalt  }
0x50: {  	_ =	shalt  }
0x51: {  	_ =	shalt  }
0x52: {  	_ =	shalt  }
0x53: {  	_ =	shalt  }
0x54: {  	_ =	shalt  }
0x55: {  	_ =	shalt  }
0x56: {  	_ =	shalt  }
0x57: {  	_ =	shalt  }
0x58: {  	_ =	shalt  }
0x59: {  	_ =	shalt  }
0x5a: {  	_ =	shalt  }
0x5b: {  	_ =	shalt  }
0x5c: {  	_ =	shalt  }
0x5d: {  	_ =	shalt  }
0x5e: {  	_ =	shalt  }
0x5f: {  	_ =	shalt  }
0x60: {  	_ =	shalt  }
0x61: {  	_ =	shalt  }
0x62: {  	_ =	shalt  }
0x63: {  	_ =	shalt  }
0x64: {  	_ =	shalt  }
0x65: {  	_ =	shalt  }
0x66: {  	_ =	shalt  }
0x67: {  	_ =	shalt  }
0x68: {  	_ =	shalt  }
0x69: {  	_ =	shalt  }
0x6a: {  	_ =	shalt  }
0x6b: {  	_ =	shalt  }
0x6c: {  	_ =	shalt  }
0x6d: {  	_ =	shalt  }
0x6e: {  	_ =	shalt  }
0x6f: {  	_ =	shalt  }
0x70: {  	_ =	shalt  }
0x71: {  	_ =	shalt  }
0x72: {  	_ =	shalt  }
0x73: {  	_ =	shalt  }
0x74: {  	_ =	shalt  }
0x75: {  	_ =	shalt  }
0x76: {  	_ =	shalt  }
0x77: {  	_ =	shalt  }
0x78: {  	_ =	shalt  }
0x79: {  	_ =	shalt  }
0x7a: {  	_ =	shalt  }
0x7b: {  	_ =	shalt  }
0x7c: {  	_ =	shalt  }
0x7d: {  	_ =	shalt  }
0x7e: {  	_ =	shalt  }
0x7f: {  	_ =	shalt  }
0x80: {  	_ =	shalt  }
0x81: {  	_ =	shalt  }
0x82: {  	_ =	shalt  }
0x83: {  	_ =	shalt  }
0x84: {  	_ =	shalt  }
0x85: {  	_ =	shalt  }
0x86: {  	_ =	shalt  }
0x87: {  	_ =	shalt  }
.Lfunc_end0:
.L_simem_size_0:
called_computation_lowered:
.L_overlay_start_0:
0x88: {  	s2 =	sld [smem:$0x3FD9]  }
0x89: {  	s3 =	sld [smem:$0x3FFE];
	_ =	sdelay $0x1  }
0x8a: {  	s1 =	srdreg.scid  }
0x8b: {  	s0 =	sand.u32 $0x1, s1  }
0x8c: {  	s17 =	sshll.u32 s0, $0xA;
	s2 =	sadd.s32 s3, s2  }
0x8d: {  	s2 =	sadd.s32 s2, s17  }
0x8e: {  	[smem:$0x3FC0] =	sst s2  }
0x8f: {  	_ = 	snop  }
0x90: {  	s2 =	sld [smem:$0x3FC9]  }
0x91: {  	s18 =	sld [smem:$0x3FD0];
	(tm) =	ssettm $0x1  }
0x92: {  	s4 =	sld [smem:$0x3FFB];
	_ =	sdelay $0x3  }
0x93: {  	_ =	strace s4  }
0x94: {  	s4 =	sld [smem:$0x3FFC];
	_ =	sdelay $0x3  }
0x95: {  	_ =	strace s4  }
0x96: {  	s4 =	sld [smem:$0x3FFD];
	_ =	sdelay $0x3  }
0x97: {  	_ =	strace s4  }
0x98: {  	_ =	strace $0x8FFFFFFF  }
0x99: {  	s19 =	sld [smem:$0x3FDB];
	_ =	sdelay $0x1  }
0x9a: {  	s5 =	simm.s32 $_scs_section_size  }
0x9b: {  	s6 =	simm.s32 $_size__tile_overlayer_lowered;
	s7 =	simm.s32 $_tile_overlayer_lowered  }
0x9c: {  	s22 =	simm.s32 $0x1BFF;
	s21 =	sshll.u32 s7, $0x1;
	s4 =	sadd.s32 s5, s19  }
0x9d: {  	s8 =	simm.s32 $0x0;
	s20 =	sshll.u32 s6, $0x1;
	s6 =	sadd.s32 s21, s4  }
0x9e: {  	[timem:s8], [sflag:s22] =	dma.local [hbm:s6], s20  }
0x9f: {  	_ =	swait.ge [sflag:s22], s20  }
0xa0: {  	s5 =	ssub.s32 $0x0, s20;
	[sflag:s22] =	ssyncset.done $0x0  }
0xa1: {  	[sflag:s22] =	ssyncadd.s32 s5;
	_ =	sdelay $0x1  }
0xa2: {  	s23 =	simm.s32 $0x1B8B  }
0xa3: {  	_ =	swait.ge [sflag:s23], $0x1  }
0xa4: {  	[sflag:s23] =	ssyncset.done $0x0  }
0xa5: {  	s25 =	simm.s32 $0x1B8E;
	s24 =	sld [smem:$0x3FFE];
	[sflag:s23] =	ssyncadd.s32 $0xFFFFFFFF  }
0xa6: {  	s26 =	simm.s32 $execute0_lowered;
	[smem:$0x3FD2] =	sst s25  }
0xa7: {  	s6 =	sshll.u32 s26, $0x1;
	_ =	strace $0x80000046;
	[dreg:$0x1] =	wrdreg $0xFFFFFFFF  }
0xa8: {  	s28 =	simm.s32 $_size_execute0_lowered;
	s4 =	sadd.s32 s4, s6;
	[dreg:$0x0] =	wrdreg $0x0  }
0xa9: {  	s6 =	sshll.u32 s28, $0x1;
	[dreg:$0x2] =	wrdreg s4  }
0xaa: {  	[dreg:$0x3] =	wrdreg s6  }
0xab: {  	[dreg:$0x4] =	wrdreg $0xC0  }
0xac: {  	_ =	task [dreg:s8], $0x5FFFF  }
0xad: {  	[dreg:$0x1] =	wrdreg $0xFFFFFFFF  }
0xae: {  	[dreg:$0x0] =	wrdreg $0x60  }
0xaf: {  	[dreg:$0x2] =	wrdreg s2  }
0xb0: {  	[dreg:$0x3] =	wrdreg s18  }
0xb1: {  	[dreg:$0x4] =	wrdreg s24  }
0xb2: {  	[dreg:$0x5] =	wrdreg $0xEA500  }
0xb3: {  	[dreg:$0x6] =	wrdreg $0x18A500  }
0xb4: {  	[dreg:$0x7] =	wrdreg $0x9  }
0xb5: {  	_ =	task.clear_ibuf [dreg:s8], $0x8FFFF;
	_ =	strace $0x90000046  }
0xb6: {  	s29 =	simm.s32 $0x9;
	_ =	strace $0x80000048  }
0xb7: {  	_ =	swait.ge [sflag:s29], $0x1  }
0xb8: {  	[sflag:s29] =	ssyncadd.s32 $0xFFFFFFFF  }
0xb9: {  	_ =	strace $0x90000048  }
0xba: {  	_ =	sfence  }
0xbb: {  	s30 =	sld [smem:$0x0];
	_ =	sdelay $0x2  }
0xbc: {  	s31 =	sshll.u32 s1, $0xD;
	s1 =	sshrl.u32 s1, $0x2  }
0xbd: {  	s3 =	sand.u32 $0x4000, s31;
	s1 =	sadd.s32 s1, s30  }
0xbe: {  	s0 =	sor.u32 s3, s0;
	s1 =	sshll.u32 s1, $0x11  }
0xbf: {  	s0 =	sor.u32 s1, s0  }
0xc0: {  	s0 =	sadd.s32 $0x8F2B, s0  }
0xc1: {  	[sflag:s0] =	ssyncadd.remote.s32 $0x1  }
0xc2: {  	_ =	sfence.sel $0xFFFF  }
0xc3: {  	[dreg:$0x0] =	wrdreg $0xFFFFFFFF;
	(pc) =	sbr.abs _section_cstart, $3  }
0xc4: {  	[dreg:$0x1] =	wrdreg $0xFFFFFFFF  }
0xc5: {  	_ =	task.clear_ibuf [dreg:s8], $0x2FFFF;
	_ =	strace $0x9FFFFFFF  }
0xc6: {  	(tm) =	ssettm $0x7FFFFFFF  }
0xc7: {  	_ =	shalt  }
tec
execute0_lowered:
.L_overlay_start_1:
0x0: {  	(tag) =	ssettag $0x1  }
0x1: {  	s0 =	rddreg [dreg:$0x0]  }
0x2: {  	s1 =	rddreg [dreg:$0x1]  }
0x3: {  	s2 =	rddreg [dreg:$0x2]  }
0x4: {  	s3 =	rddreg [dreg:$0x3]  }
0x5: {  	s4 =	rddreg [dreg:$0x4]  }
0x6: {  	s12 =	stileid.u32;
	s5 =	srdreg.scid  }
0x7: {  	s9 =	simm.s32 $0x0;
	s28 =	simm.s32 $0x3;
	s30 =	simm.s32 $0xA000  }
0x8: {  	s31 =	simm.s32 $0xDE80;
	s29 =	simm.s32 $0x1;
	s10 =	smul.u32 $0x14000, s12  }
0x9: {  	s6 =	sand.u32 $0x1, s5;
	s7 =	smul.u32 $0xA00, s12;
	[smem:$0x7FF] =	sst s9  }
0xa: {  	s11 =	smul.u32 $0x5000, s12;
	s8 =	sshll.u32 s6, $0x6;
	_ =	strace $0x80000047  }
0xb: {  	s13 =	sshll.u32 s6, $0x4;
	s14 =	ssub.s32 $0x2, s6;
	p0 =	seq.s32 s6, $0x0  }
0xc: {  	v0 =	vmov s6;
	s6 =	simm.s32 $0x0;
	s5 =	sor.u32 s8, s10;
	s10 =	sadd.s32 s7, s2  }
0xd: {  	s8 =	sor.u32 s13, s11;
	s11 =	smul.u32 $0x28000, s12;
	s15 =	sshrl.u32 s14, $0x1  }
0xe: {  	s12 =	smul.u32 $0xA000, s12;
	s1 =	sadd.s32 s1, s7;
	s5 =	sshrl.u32 s5, $0x3  }
0xf: {  	s8 =	sshrl.u32 s8, $0x3;
	s9 =	ssub.s32 s14, s15;
	[dreg:$0x6] =	wrdreg s1  }
0x10: {  	s17 =	sadd.s32 $0x1400, s10;
	s1 =	simm.s32 $0x7D;
	s5 =	sadd.s32 s5, s2  }
0x11: {  	s2 =	sadd.s32 s8, s2;
	s16 =	sshrl.u32 s11, $0x2;
	[dreg:$0x7] =	wrdreg s17  }
0x12: {  	s18 =	sshrl.u32 s12, $0x2;
	s22 =	smax.u32 s9, $0x1;
	s8 =	sadd.s32 s16, s3  }
0x13: {  	s10 =	sadd.s32 s18, s4;
	s20 =	sadd.s32 $0xB400, s5;
	[dreg:$0xb] =	wrdreg s22  }
0x14: {  	s21 =	sadd.s32 $0x33400, s2;
	s2 =	simm.s32 $0xBF40;
	[dreg:$0x9] =	wrdreg s20  }
0x15: {  	s5 =	simm.s32 $0x4;
	s19 =	sadd.s32 $0x9C40, s8;
	[dreg:$0xa] =	wrdreg s21  }
0x16: {  	s23 =	sadd.s32 $0x1F40, s8;
	s24 =	sadd.s32 $0x3E80, s8;
	[dreg:$0x8] =	wrdreg s19  }
0x17: {  	s25 =	sadd.s32 $0x5DC0, s8;
	s26 =	sadd.s32 $0x7D00, s8;
	[dreg:$0xc] =	wrdreg s23  }
0x18: {  	s18 =	sadd.s32 $0x400, s10;
	s20 =	sadd.s32 $0xC00, s10;
	[dreg:$0xd] =	wrdreg s24  }
0x19: {  	s21 =	sadd.s32 $0x1000, s10;
	s22 =	sadd.s32 $0x1400, s10;
	[dreg:$0xe] =	wrdreg s25  }
0x1a: {  	[dreg:$0xf] =	wrdreg s26;
	s19 =	sadd.s32 $0x800, s10;
	s23 =	sadd.s32 $0x1800, s10  }
0x1b: {  	v1 =	vimm.f32 $0.0e+00;
	v2 =	vimm.f32 $1.000000000e+00;
	s24 =	sadd.s32 $0x1C00, s10;
	s25 =	sadd.s32 $0x2000, s10;
	s26 =	sadd.s32 $0x2400, s10  }
.LBB2_1:
0x1c: {  	s7 =	simm.s32 $0x0;
	s9 =	rddreg [dreg:$0x6]  }
0x1d: {  	[tilespmem:s7], [sflag:$0x3] =	stream.linear.gather [hbm4b:s9+s7], $0x5000, $0x38;
	[tilespmem:$0x1B250] =	vst v63  }
0x1e: {  	_ =	swait.ge [sflag:s28], $0x5000  }
0x1f: {  	[sflag:s28] =	ssyncset.done $0x0  }
0x20: {  	s11 =	simm.s32 $0x5000;
	s17 =	rddreg [dreg:$0x7];
	[sflag:s28] =	ssyncadd.s32 $0xFFFFB000  }
0x21: {  	[tilespmem:s11], [sflag:$0x3] =	stream.linear.gather [hbm4b:s17+s7], $0x5000, $0x38;
	[tilespmem:$0x1B250] =	vst v63  }
0x22: {  	_ =	swait.ge [sflag:s28], $0x5000  }
0x23: {  	[sflag:s28] =	ssyncset.done $0x0  }
0x24: {  	s7 =	simm.s32 $0x0;
	[sflag:s28] =	ssyncadd.s32 $0xFFFFB000  }
0x25: {  	v3 =	vld [tilespmem:s7+$0x0]  }
0x26: {  	v5 =	vld [tilespmem:s7+$0x10]  }
0x27: {  	v7 =	vld [tilespmem:s7+$0x20]  }
0x28: {  	v6 =	vld [tilespmem:s7+$0x30]  }
0x29: {  	v4 =	vld [tilespmem:s7+$0x40]  }
0x2a: {  	v8 =	vshll.u32 v3, $0x1;
	v3 =	vld [tilespmem:s7+$0x50]  }
0x2b: {  	s9 =	simm.s32 $0x200;
	v9 =	vshll.u32 v5, $0x1;
	v5 =	vld [tilespmem:s7+$0x60];
	v8 =	vor.u32 v0, v8  }
.LBB2_2:
0x2c: {  	p1 =	sne.s32 s9, $0x13E00;
	v10 =	vld [tilespmem:s7+$0x6D];
	[tilespmem:s7+$0x0] =	vst v8;
	v8 =	vor.u32 v0, v9;
	v7 =	vshll.u32 v7, $0x1  }
0x2d: {  	s11 =	sshra.s32 s9, $0x2;
	[tilespmem:s7+$0x10] =	vst v8;
	v7 =	vor.u32 v0, v7;
	v6 =	vshll.u32 v6, $0x1  }
0x2e: {  	v8 =	vld [tilespmem:s11+$0x0];
	[tilespmem:s7+$0x20] =	vst v7;
	v6 =	vor.u32 v0, v6;
	v4 =	vshll.u32 v4, $0x1  }
0x2f: {  	v9 =	vld [tilespmem:s11+$0x10];
	[tilespmem:s7+$0x30] =	vst v6;
	v4 =	vor.u32 v0, v4;
	v3 =	vshll.u32 v3, $0x1  }
.Ltmp0:
0x30: {  	v7 =	vld [tilespmem:s11+$0x20];
	[tilespmem:s7+$0x40] =	vst v4;
	v3 =	vor.u32 v0, v3;
	v4 =	vshll.u32 v5, $0x1;
	(pc) =	sbr.rel @p1 .LBB2_2-.Ltmp0, $4  }
0x31: {  	v6 =	vld [tilespmem:s11+$0x30];
	[tilespmem:s7+$0x50] =	vst v3;
	v3 =	vor.u32 v0, v4;
	v5 =	vshll.u32 v10, $0x1  }
0x32: {  	v4 =	vld [tilespmem:s11+$0x40];
	[tilespmem:s7+$0x60] =	vst v3;
	v5 =	vor.u32 v0, v5  }
0x33: {  	v8 =	vshll.u32 v8, $0x1;
	v3 =	vld [tilespmem:s11+$0x50];
	[tilespmem:s7+$0x6D] =	vst v5;
	s7 =	smov.u32 s11  }
0x34: {  	s9 =	sadd.s32 $0x200, s9;
	v8 =	vor.u32 v0, v8;
	v9 =	vshll.u32 v9, $0x1;
	v5 =	vld [tilespmem:s7+$0x60]  }
0x35: {  	v10 =	vld [tilespmem:s7+$0x6D];
	[tilespmem:s7+$0x0] =	vst v8;
	v61 =	vor.u32 v0, v9;
	v7 =	vshll.u32 v7, $0x1  }
0x36: {  	[tilespmem:s7+$0x10] =	vst v61;
	v7 =	vor.u32 v0, v7;
	v6 =	vshll.u32 v6, $0x1  }
0x37: {  	[tilespmem:s7+$0x20] =	vst v7;
	v6 =	vor.u32 v0, v6;
	v4 =	vshll.u32 v4, $0x1  }
0x38: {  	[tilespmem:s7+$0x30] =	vst v6;
	v4 =	vor.u32 v0, v4;
	v3 =	vshll.u32 v3, $0x1  }
0x39: {  	[tilespmem:s7+$0x40] =	vst v4;
	v3 =	vor.u32 v0, v3;
	v62 =	vshll.u32 v5, $0x1  }
0x3a: {  	[tilespmem:s7+$0x50] =	vst v3;
	v3 =	vor.u32 v0, v62;
	v63 =	vshll.u32 v10, $0x1  }
0x3b: {  	[tilespmem:s7+$0x60] =	vst v3;
	v3 =	vor.u32 v0, v63  }
0x3c: {  	s11 =	simm.s32 $0x100;
	s9 =	simm.s32 $0x0;
	[tilespmem:s7+$0x6D] =	vst v3;
	s7 =	simm.s32 $0x0  }
.LBB2_4:
0x3d: {  	p1 =	sne.s32 s11, $0x7C00;
	[tilespmem:s9+$0xA030] =	vst v1;
	s12 =	smov.u32 s11;
	s11 =	sadd.s32 $0x100, s11  }
.Ltmp1:
0x3e: {  	[tilespmem:s9+$0xA020] =	vst v1;
	(pc) =	sbr.rel @p1 .LBB2_4-.Ltmp1, $3  }
0x3f: {  	[tilespmem:s9+$0xA000] =	vst v1  }
0x40: {  	[tilespmem:s9+$0xA010] =	vst v1;
	_ =	sdelay $0x1  }
0x41: {  	s9 =	sshra.s32 s12, $0x2  }
0x42: {  	[tilespmem:s9+$0xA030] =	vst v1  }
0x43: {  	[tilespmem:s9+$0xA020] =	vst v1  }
0x44: {  	[tilespmem:s9+$0xA000] =	vst v1  }
0x45: {  	[tilespmem:s9+$0xA010] =	vst v1  }
.LBB2_6:
0x46: {  	p1 =	sne.s32 s7, $0xFC0  }
.Ltmp2:
0x47: {  	_ = 	snop;
	(pc) =	sbr.rel @p1 .LBB2_6-.Ltmp2, $3  }
0x48: {  	_ =	sdelay $0x1  }
0x49: {  	s9 =	sshra.s32 s7, $0x2  }
0x4a: {  	s7 =	sadd.s32 $0x40, s7;
	[tilespmem:s9+$0xDE80] =	vst v1  }
0x4b: {  	s7 =	simm.s32 $0x40;
	s9 =	simm.s32 $0x0  }
.LBB2_8:
0x4c: {  	p1 =	sne.s32 s7, $0x1F00;
	[tilespmem:s9+$0xE280] =	vst v2;
	s9 =	smov.u32 s7;
	s7 =	sadd.s32 $0x40, s7  }
.Ltmp3:
0x4d: {  	(pc) =	sbr.rel @p1 .LBB2_8-.Ltmp3, $2  }
0x4e: {  	_ =	sdelay $0x2  }
0x4f: {  	s9 =	sshra.s32 s9, $0x2  }
0x50: {  	[tilespmem:s9+$0xE280] =	vst v2  }
0x51: {  	[spmem:s8] =	stream.linear.scatter [tilespmem:s30], [sflag:$0x3], $0x1F40, $0x38;
	[tilespmem:$0x1B250] =	vst v63  }
0x52: {  	_ =	swait.ge [sflag:s28], $0x1F40  }
0x53: {  	[sflag:s28] =	ssyncset.done $0x0  }
0x54: {  	s7 =	rddreg [dreg:$0xc];
	[sflag:s28] =	ssyncadd.s32 $0xFFFFE0C0  }
0x55: {  	[spmem:s7] =	stream.linear.scatter [tilespmem:s30], [sflag:$0x3], $0x1F40, $0x38;
	[tilespmem:$0x1B250] =	vst v63  }
0x56: {  	_ =	swait.ge [sflag:s28], $0x1F40  }
0x57: {  	[sflag:s28] =	ssyncset.done $0x0  }
0x58: {  	s12 =	rddreg [dreg:$0xd];
	[sflag:s28] =	ssyncadd.s32 $0xFFFFE0C0  }
0x59: {  	[spmem:s12] =	stream.linear.scatter [tilespmem:s30], [sflag:$0x3], $0x1F40, $0x38;
	[tilespmem:$0x1B250] =	vst v63  }
0x5a: {  	_ =	swait.ge [sflag:s28], $0x1F40  }
0x5b: {  	[sflag:s28] =	ssyncset.done $0x0  }
0x5c: {  	s13 =	rddreg [dreg:$0xe];
	[sflag:s28] =	ssyncadd.s32 $0xFFFFE0C0  }
0x5d: {  	[spmem:s13] =	stream.linear.scatter [tilespmem:s30], [sflag:$0x3], $0x1F40, $0x38;
	[tilespmem:$0x1B250] =	vst v63  }
0x5e: {  	_ =	swait.ge [sflag:s28], $0x1F40  }
0x5f: {  	[sflag:s28] =	ssyncset.done $0x0  }
0x60: {  	s14 =	rddreg [dreg:$0xf];
	[sflag:s28] =	ssyncadd.s32 $0xFFFFE0C0  }
0x61: {  	[spmem:s14] =	stream.linear.scatter [tilespmem:s30], [sflag:$0x3], $0x1F40, $0x38;
	[tilespmem:$0x1B250] =	vst v63  }
0x62: {  	_ =	swait.ge [sflag:s28], $0x1F40  }
0x63: {  	[sflag:s28] =	ssyncset.done $0x0  }
0x64: {  	s15 =	rddreg [dreg:$0x8];
	[sflag:s28] =	ssyncadd.s32 $0xFFFFE0C0  }
0x65: {  	[spmem:s15] =	stream.linear.scatter [tilespmem:s30], [sflag:$0x3], $0x3C0, $0x38;
	[tilespmem:$0x1B250] =	vst v63  }
0x66: {  	_ =	swait.ge [sflag:s28], $0x3C0  }
0x67: {  	[sflag:s28] =	ssyncset.done $0x0  }
0x68: {  	[sflag:s28] =	ssyncadd.s32 $0xFFFFFC40  }
0x69: {  	[spmem:s10] =	stream.linear.scatter [tilespmem:s31], [sflag:$0x3], $0x400, $0x38;
	[tilespmem:$0x1B250] =	vst v63  }
0x6a: {  	_ =	swait.ge [sflag:s28], $0x400  }
0x6b: {  	[sflag:s28] =	ssyncset.done $0x0  }
0x6c: {  	[sflag:s28] =	ssyncadd.s32 $0xFFFFFC00  }
0x6d: {  	[spmem:s18] =	stream.linear.scatter [tilespmem:s31], [sflag:$0x3], $0x400, $0x38;
	[tilespmem:$0x1B250] =	vst v63  }
0x6e: {  	_ =	swait.ge [sflag:s28], $0x400  }
0x6f: {  	[sflag:s28] =	ssyncset.done $0x0  }
0x70: {  	[sflag:s28] =	ssyncadd.s32 $0xFFFFFC00  }
0x71: {  	[spmem:s19] =	stream.linear.scatter [tilespmem:s31], [sflag:$0x3], $0x400, $0x38;
	[tilespmem:$0x1B250] =	vst v63  }
0x72: {  	_ =	swait.ge [sflag:s28], $0x400  }
0x73: {  	[sflag:s28] =	ssyncset.done $0x0  }
0x74: {  	[sflag:s28] =	ssyncadd.s32 $0xFFFFFC00  }
0x75: {  	[spmem:s20] =	stream.linear.scatter [tilespmem:s31], [sflag:$0x3], $0x400, $0x38;
	[tilespmem:$0x1B250] =	vst v63  }
0x76: {  	_ =	swait.ge [sflag:s28], $0x400  }
0x77: {  	[sflag:s28] =	ssyncset.done $0x0  }
0x78: {  	[sflag:s28] =	ssyncadd.s32 $0xFFFFFC00  }
0x79: {  	[spmem:s21] =	stream.linear.scatter [tilespmem:s31], [sflag:$0x3], $0x400, $0x38;
	[tilespmem:$0x1B250] =	vst v63  }
0x7a: {  	_ =	swait.ge [sflag:s28], $0x400  }
0x7b: {  	[sflag:s28] =	ssyncset.done $0x0  }
0x7c: {  	[sflag:s28] =	ssyncadd.s32 $0xFFFFFC00  }
0x7d: {  	[spmem:s22] =	stream.linear.scatter [tilespmem:s31], [sflag:$0x3], $0x400, $0x38;
	[tilespmem:$0x1B250] =	vst v63  }
0x7e: {  	_ =	swait.ge [sflag:s28], $0x400  }
0x7f: {  	[sflag:s28] =	ssyncset.done $0x0  }
0x80: {  	[sflag:s28] =	ssyncadd.s32 $0xFFFFFC00  }
0x81: {  	[spmem:s23] =	stream.linear.scatter [tilespmem:s31], [sflag:$0x3], $0x400, $0x38;
	[tilespmem:$0x1B250] =	vst v63  }
0x82: {  	_ =	swait.ge [sflag:s28], $0x400  }
0x83: {  	[sflag:s28] =	ssyncset.done $0x0  }
0x84: {  	[sflag:s28] =	ssyncadd.s32 $0xFFFFFC00  }
0x85: {  	[spmem:s24] =	stream.linear.scatter [tilespmem:s31], [sflag:$0x3], $0x400, $0x38;
	[tilespmem:$0x1B250] =	vst v63  }
0x86: {  	_ =	swait.ge [sflag:s28], $0x400  }
0x87: {  	[sflag:s28] =	ssyncset.done $0x0  }
0x88: {  	[sflag:s28] =	ssyncadd.s32 $0xFFFFFC00  }
0x89: {  	[spmem:s25] =	stream.linear.scatter [tilespmem:s31], [sflag:$0x3], $0x400, $0x38;
	[tilespmem:$0x1B250] =	vst v63  }
0x8a: {  	_ =	swait.ge [sflag:s28], $0x400  }
0x8b: {  	[sflag:s28] =	ssyncset.done $0x0  }
0x8c: {  	[sflag:s28] =	ssyncadd.s32 $0xFFFFFC00  }
0x8d: {  	[spmem:s26] =	stream.linear.scatter [tilespmem:s31], [sflag:$0x3], $0x400, $0x38;
	[tilespmem:$0x1B250] =	vst v63  }
0x8e: {  	_ =	swait.ge [sflag:s28], $0x400  }
0x8f: {  	[sflag:s28] =	ssyncset.done $0x0  }
0x90: {  	[sflag:s28] =	ssyncadd.s32 $0xFFFFFC00  }
0x91: {  	s16 =	simm.s32 $0x0;
	[bflag:$0x0] =	sbarrier.arrive $0xFFFF  }
0x92: {  	[tilespmem:s30], [sflag:$0x1] =	stream.indirect.gather [hbm4b:s0+s1], $0x40, s16, s1, $0xb8;
	[tilespmem:$0x1B250] =	vst v63  }
0x93: {  	_ =	swait.ge [sflag:s29], $0x1F40  }
0x94: {  	[sflag:s29] =	ssyncset.done $0x0  }
0x95: {  	s17 =	simm.s32 $0x80;
	p1 =	por $0x0, $0x0;
	[sflag:s29] =	ssyncadd.s32 $0xFFFFE0C0  }
0x96: {  	[tilespmem:s2], [sflag:$0x2] =	stream.indirect.gather [hbm4b:s0+s1], $0x40, s17, s1, $0xb8;
	[tilespmem:$0x1B250] =	vst v63  }
0x97: {  	s11 =	simm.s32 $0x1;
	s9 =	simm.s32 $0x1;
	s7 =	simm.s32 $0x5000  }
0x98: {  	[spmem:s3] =	stream.indirect.scatter.add.f32 [tilespmem:s30], [sflag:$0x4], $0x40, s7, s1, $0xb8;
	[tilespmem:$0x1B250] =	vst v63  }
0x99: {  	s11 =	simm.s32 @!p1 $0x0;
	s9 =	simm.s32 @!p0 $0x0;
	_ =	swait.ge [sflag:s5], $0x1F40  }
0x9a: {  	p1 =	seq.s32 s9, s11;
	[sflag:s5] =	ssyncset.done $0x0  }
0x9b: {  	s11 =	simm.s32 @p1 $0x2;
	[sflag:s5] =	ssyncadd.s32 $0xFFFFE0C0  }
0x9c: {  	_ =	swait.ge @p1 [sflag:s11], $0x1F40  }
0x9d: {  	s12 =	simm.s32 $0x100;
	[sflag:s11] =	ssyncset.done @p1 $0x0  }
0x9e: {  	s13 =	simm.s32 @p1 $0xA000;
	[sflag:s11] =	ssyncadd.s32 @p1 $0xFFFFE0C0;
	s11 =	simm.s32 @p1 $0x7D  }
0x9f: {  	[tilespmem:s13], [sflag:$0x1] =	stream.indirect.gather @p1 [hbm4b:s0+s11], $0x40, s12, s11, $0xb8;
	[tilespmem:$0x1B250] =	vst v63  }
0xa0: {  	s14 =	simm.s32 @p1 $0xBF40;
	s15 =	simm.s32 @p1 $0x4;
	s13 =	simm.s32 @p1 $0x5080  }
0xa1: {  	[spmem:s3] =	stream.indirect.scatter.add.f32 @p1 [tilespmem:s14], [sflag:$0x4], $0x40, s13, s11, $0xb8;
	[tilespmem:$0x1B250] =	vst v63  }
0xa2: {  	_ =	swait.ge @p1 [sflag:s15], $0x1F40  }
0xa3: {  	s11 =	simm.s32 @!p1 $0x4;
	[sflag:s15] =	ssyncset.done @p1 $0x0  }
0xa4: {  	s13 =	simm.s32 @!p1 $0x7D;
	s14 =	simm.s32 @!p1 $0xE280;
	[sflag:s15] =	ssyncadd.s32 @p1 $0xFFFFE0C0  }
0xa5: {  	[spmem:s4] =	stream.indirect.scatter.add.f32 @!p1 [tilespmem:s14], [sflag:$0x4], $0x10, s7, s13, $0xb8;
	[tilespmem:$0x1B250] =	vst v63  }
0xa6: {  	_ =	swait.ge @!p1 [sflag:s11], $0x7D0  }
0xa7: {  	[sflag:s11] =	ssyncset.done @!p1 $0x0  }
0xa8: {  	s15 =	simm.s32 @!p1 $0x2;
	[sflag:s11] =	ssyncadd.s32 @!p1 $0xFFFFF830  }
0xa9: {  	_ =	swait.ge @!p1 [sflag:s15], $0x1F40  }
0xaa: {  	[sflag:s15] =	ssyncset.done @!p1 $0x0  }
0xab: {  	[sflag:s15] =	ssyncadd.s32 @!p1 $0xFFFFE0C0;
	s15 =	simm.s32 @!p1 $0xA000  }
0xac: {  	[tilespmem:s15], [sflag:$0x1] =	stream.indirect.gather @!p1 [hbm4b:s0+s13], $0x40, s12, s13, $0xb8;
	[tilespmem:$0x1B250] =	vst v63  }
0xad: {  	s12 =	simm.s32 @!p1 $0x5080;
	s15 =	simm.s32 @!p1 $0xBF40  }
0xae: {  	[spmem:s3] =	stream.indirect.scatter.add.f32 @!p1 [tilespmem:s15], [sflag:$0x4], $0x40, s12, s13, $0xb8;
	[tilespmem:$0x1B250] =	vst v63  }
0xaf: {  	_ =	swait.ge @!p1 [sflag:s11], $0x1F40  }
0xb0: {  	[sflag:s11] =	ssyncset.done @!p1 $0x0  }
0xb1: {  	[sflag:s11] =	ssyncadd.s32 @!p1 $0xFFFFE0C0  }
0xb2: {  	[spmem:s4] =	stream.indirect.scatter.add.f32 @!p1 [tilespmem:s14], [sflag:$0x3], $0x10, s12, s13, $0xb8;
	[tilespmem:$0x1B250] =	vst v63  }
0xb3: {  	s13 =	simm.s32 @!p1 $0x3  }
0xb4: {  	_ =	swait.ge @!p1 [sflag:s13], $0x7D0  }
0xb5: {  	s11 =	simm.s32 $0x1;
	s12 =	simm.s32 $0x200;
	[sflag:s13] =	ssyncset.done @!p1 $0x0  }
.LBB2_10:
0xb6: {  	[sflag:s13] =	ssyncadd.s32 @!p1 $0xFFFFF830  }
0xb7: {  	s7 =	sadd.s32 $0x100, s7;
	s13 =	smov.u32 s11;
	s11 =	sadd.s32 $0x1, s11  }
0xb8: {  	_ =	swait.ge [sflag:s29], $0x1F40;
	p2 =	sne.s32 s11, $0x4F  }
0xb9: {  	[sflag:s29] =	ssyncset.done $0x0  }
0xba: {  	s14 =	sadd.s32 $0xFFFFFF80, s12;
	[sflag:s29] =	ssyncadd.s32 $0xFFFFE0C0  }
0xbb: {  	[tilespmem:s2], [sflag:$0x2] =	stream.indirect.gather [hbm4b:s0+s1], $0x40, s14, s1, $0xb8;
	[tilespmem:$0x1B250] =	vst v63  }
0xbc: {  	p1 =	sgt.u32 s13, $0x27;
	s13 =	simm.s32 $0x1  }
0xbd: {  	[spmem:s3] =	stream.indirect.scatter.add.f32 [tilespmem:s30], [sflag:$0x4], $0x40, s7, s1, $0xb8;
	[tilespmem:$0x1B250] =	vst v63  }
0xbe: {  	s13 =	simm.s32 @!p1 $0x0;
	_ =	swait.ge [sflag:s5], $0x1F40  }
0xbf: {  	p1 =	seq.s32 s9, s13;
	[sflag:s5] =	ssyncset.done $0x0  }
0xc0: {  	s13 =	simm.s32 @p1 $0x2;
	[sflag:s5] =	ssyncadd.s32 $0xFFFFE0C0  }
0xc1: {  	_ =	swait.ge @p1 [sflag:s13], $0x1F40  }
0xc2: {  	[sflag:s13] =	ssyncset.done @p1 $0x0  }
0xc3: {  	s14 =	simm.s32 @p1 $0xA000;
	[sflag:s13] =	ssyncadd.s32 @p1 $0xFFFFE0C0;
	s13 =	simm.s32 @p1 $0x7D  }
0xc4: {  	[tilespmem:s14], [sflag:$0x1] =	stream.indirect.gather @p1 [hbm4b:s0+s13], $0x40, s12, s13, $0xb8;
	[tilespmem:$0x1B250] =	vst v63  }
0xc5: {  	s15 =	simm.s32 @p1 $0xBF40;
	s16 =	simm.s32 @p1 $0x4;
	s14 =	sadd.s32 @p1 $0x80, s7  }
0xc6: {  	[spmem:s3] =	stream.indirect.scatter.add.f32 @p1 [tilespmem:s15], [sflag:$0x4], $0x40, s14, s13, $0xb8;
	[tilespmem:$0x1B250] =	vst v63  }
0xc7: {  	_ =	swait.ge @p1 [sflag:s16], $0x1F40  }
0xc8: {  	s13 =	simm.s32 @!p1 $0x4;
	[sflag:s16] =	ssyncset.done @p1 $0x0  }
0xc9: {  	s14 =	simm.s32 @!p1 $0x7D;
	s15 =	simm.s32 @!p1 $0xE280;
	[sflag:s16] =	ssyncadd.s32 @p1 $0xFFFFE0C0  }
0xca: {  	[spmem:s4] =	stream.indirect.scatter.add.f32 @!p1 [tilespmem:s15], [sflag:$0x4], $0x10, s7, s14, $0xb8;
	[tilespmem:$0x1B250] =	vst v63  }
0xcb: {  	_ =	swait.ge @!p1 [sflag:s13], $0x7D0  }
0xcc: {  	[sflag:s13] =	ssyncset.done @!p1 $0x0  }
0xcd: {  	s16 =	simm.s32 @!p1 $0x2;
	[sflag:s13] =	ssyncadd.s32 @!p1 $0xFFFFF830  }
0xce: {  	_ =	swait.ge @!p1 [sflag:s16], $0x1F40  }
0xcf: {  	[sflag:s16] =	ssyncset.done @!p1 $0x0  }
0xd0: {  	[sflag:s16] =	ssyncadd.s32 @!p1 $0xFFFFE0C0;
	s16 =	simm.s32 @!p1 $0xA000  }
0xd1: {  	[tilespmem:s16], [sflag:$0x1] =	stream.indirect.gather @!p1 [hbm4b:s0+s14], $0x40, s12, s14, $0xb8;
	[tilespmem:$0x1B250] =	vst v63  }
0xd2: {  	s17 =	simm.s32 @!p1 $0xBF40;
	s16 =	sadd.s32 @!p1 $0x80, s7  }
0xd3: {  	[spmem:s3] =	stream.indirect.scatter.add.f32 @!p1 [tilespmem:s17], [sflag:$0x4], $0x40, s16, s14, $0xb8;
	[tilespmem:$0x1B250] =	vst v63  }
0xd4: {  	_ =	swait.ge @!p1 [sflag:s13], $0x1F40  }
.Ltmp4:
0xd5: {  	[sflag:s13] =	ssyncset.done @!p1 $0x0;
	(pc) =	sbr.rel @p2 .LBB2_10-.Ltmp4, $4  }
0xd6: {  	[sflag:s13] =	ssyncadd.s32 @!p1 $0xFFFFE0C0;
	s13 =	simm.s32 @!p1 $0x3  }
0xd7: {  	[spmem:s4] =	stream.indirect.scatter.add.f32 @!p1 [tilespmem:s15], [sflag:$0x3], $0x10, s16, s14, $0xb8;
	[tilespmem:$0x1B250] =	vst v63  }
0xd8: {  	_ =	swait.ge @!p1 [sflag:s13], $0x7D0  }
0xd9: {  	s12 =	sadd.s32 $0x100, s12;
	[sflag:s13] =	ssyncset.done @!p1 $0x0  }
0xda: {  	[sflag:s13] =	ssyncadd.s32 @!p1 $0xFFFFF830  }
0xdb: {  	_ =	swait.ge [sflag:s29], $0x1F40  }
0xdc: {  	[sflag:s29] =	ssyncset.done $0x0  }
0xdd: {  	s7 =	simm.s32 $0x4F80;
	[sflag:s29] =	ssyncadd.s32 $0xFFFFE0C0  }
0xde: {  	[tilespmem:s2], [sflag:$0x2] =	stream.indirect.gather [hbm4b:s0+s1], $0x40, s7, s1, $0xb8;
	[tilespmem:$0x1B250] =	vst v63  }
0xdf: {  	s12 =	simm.s32 $0x9F00  }
0xe0: {  	[spmem:s3] =	stream.indirect.scatter.add.f32 [tilespmem:s30], [sflag:$0x4], $0x40, s12, s1, $0xb8;
	[tilespmem:$0x1B250] =	vst v63  }
0xe1: {  	_ =	swait.ge [sflag:s5], $0x1F40  }
0xe2: {  	[sflag:s5] =	ssyncset.done $0x0  }
0xe3: {  	s7 =	simm.s32 @p0 $0x2;
	[sflag:s5] =	ssyncadd.s32 $0xFFFFE0C0  }
0xe4: {  	_ =	swait.ge @p0 [sflag:s7], $0x1F40  }
0xe5: {  	s9 =	simm.s32 @p0 $0x9F80;
	[sflag:s7] =	ssyncset.done @p0 $0x0  }
0xe6: {  	s11 =	simm.s32 @p0 $0xBF40;
	[sflag:s7] =	ssyncadd.s32 @p0 $0xFFFFE0C0;
	s7 =	simm.s32 @p0 $0x7D  }
0xe7: {  	[spmem:s3] =	stream.indirect.scatter.add.f32 @p0 [tilespmem:s11], [sflag:$0x4], $0x40, s9, s7, $0xb8;
	[tilespmem:$0x1B250] =	vst v63  }
0xe8: {  	s7 =	simm.s32 @p0 $0x4  }
0xe9: {  	_ =	swait.ge @p0 [sflag:s7], $0x1F40  }
0xea: {  	s9 =	simm.s32 @!p0 $0x9F00;
	[sflag:s7] =	ssyncset.done @p0 $0x0  }
0xeb: {  	s11 =	simm.s32 @!p0 $0xE280;
	[sflag:s7] =	ssyncadd.s32 @p0 $0xFFFFE0C0;
	s7 =	simm.s32 @!p0 $0x7D  }
0xec: {  	[spmem:s4] =	stream.indirect.scatter.add.f32 @!p0 [tilespmem:s11], [sflag:$0x4], $0x10, s9, s7, $0xb8;
	[tilespmem:$0x1B250] =	vst v63  }
0xed: {  	s9 =	simm.s32 @!p0 $0x4  }
0xee: {  	_ =	swait.ge @!p0 [sflag:s9], $0x7D0  }
0xef: {  	[sflag:s9] =	ssyncset.done @!p0 $0x0  }
0xf0: {  	s12 =	simm.s32 @!p0 $0x2;
	[sflag:s9] =	ssyncadd.s32 @!p0 $0xFFFFF830  }
0xf1: {  	_ =	swait.ge @!p0 [sflag:s12], $0x1F40  }
0xf2: {  	[sflag:s12] =	ssyncset.done @!p0 $0x0  }
0xf3: {  	s13 =	simm.s32 @!p0 $0xBF40;
	[sflag:s12] =	ssyncadd.s32 @!p0 $0xFFFFE0C0;
	s12 =	simm.s32 @!p0 $0x9F80  }
0xf4: {  	[spmem:s3] =	stream.indirect.scatter.add.f32 @!p0 [tilespmem:s13], [sflag:$0x4], $0x40, s12, s7, $0xb8;
	[tilespmem:$0x1B250] =	vst v63  }
0xf5: {  	_ =	swait.ge @!p0 [sflag:s9], $0x1F40  }
0xf6: {  	[sflag:s9] =	ssyncset.done @!p0 $0x0  }
0xf7: {  	[sflag:s9] =	ssyncadd.s32 @!p0 $0xFFFFE0C0  }
0xf8: {  	[spmem:s4] =	stream.indirect.scatter.add.f32 @!p0 [tilespmem:s11], [sflag:$0x3], $0x10, s12, s7, $0xb8;
	[tilespmem:$0x1B250] =	vst v63  }
0xf9: {  	s7 =	simm.s32 @!p0 $0x3  }
0xfa: {  	_ =	swait.ge @!p0 [sflag:s7], $0x7D0  }
0xfb: {  	[sflag:s7] =	ssyncset.done @!p0 $0x0  }
0xfc: {  	s14 =	sshrl.u32 s8, $0x3;
	s13 =	stileid.u32;
	[sflag:s7] =	ssyncadd.s32 @!p0 $0xFFFFF830  }
0xfd: {  	s16 =	simm.s32 $0x10;
	s7 =	sshll.u32 s13, $0x6;
	[bflag:$0x0] =	sbarrier.arrive $0xFFFF  }
0xfe: {  	s17 =	simm.s32 $0x8;
	s7 =	sor.u32 $0x1C03, s7;
	s15 =	rddreg [dreg:$0x9]  }
0xff: {  	[hbm:s15@s16], [sflag:s7] =	dma.strided [spmem:s14@s17], $0x1400, s29, $0x8   }
0x100: {  	_ =	swait.ge [sflag:s28], $0x1400  }
0x101: {  	s14 =	sshrl.u32 s10, $0x3;
	[sflag:s28] =	ssyncset.done $0x0  }
0x102: {  	s16 =	simm.s32 $0x2;
	s15 =	rddreg [dreg:$0xa];
	[sflag:s28] =	ssyncadd.s32 $0xFFFFEC00  }
0x103: {  	[hbm:s15@s5], [sflag:s7] =	dma.strided [spmem:s14@s16], $0x500, s29, $0x2   }
0x104: {  	_ =	swait.ge [sflag:s28], $0x500  }
0x105: {  	s6 =	sadd.s32 $0x1, s6;
	s17 =	rddreg [dreg:$0xb]  }
0x106: {  	p1 =	sne.s32 s6, s17  }
.Ltmp5:
0x107: {  	_ = 	snop;
	(pc) =	sbr.rel @p1 .LBB2_1-.Ltmp5, $3  }
0x108: {  	_ =	sdelay $0x1  }
0x109: {  	[sflag:s28] =	ssyncset.done $0x0  }
0x10a: {  	[sflag:s28] =	ssyncadd.s32 $0xFFFFFB00  }
0x10b: {  	_ =	sfence.sel $0x180000  }
0x10c: {  	[bflag:$0x0] =	sbarrier.arrive $0xFFFF  }
0x10d: {  	_ =	strace $0x90000047  }
0x10e: {  	s0 =	stileid.u32;
	[bflag:$0x2] =	sbarrier.arrive $0xFFFF  }
0x10f: {  	p0 =	sne.s32 s0, $0x0;
	s0 =	rddreg [dreg:$0x5]  }
0x110: {  	s0 =	sadd.s32 @!p0 $0x100000, s0  }
0x111: {  	[sflag:s0] =	ssyncadd.tile.s32 @!p0 $0x1;
	_ =	shalt  }
.Lfunc_end2:
_tile_overlayer_lowered:
.L_overlay_start_2:
0x112: {  	(tag) =	ssettag $0x2  }
0x113: {  	s0 =	rddreg [dreg:$0x0];
	s2 =	stileid.u32  }
0x114: {  	s1 =	rddreg [dreg:$0x1];
	p0 =	sne.s32 s2, $0x0  }
0x115: {  	s3 =	rddreg [dreg:$0x2];
	[bflag:$0x3] =	sbarrier.arrive $0xFFFF;
	s2 =	simm.s32 @!p0 $0x1C03  }
0x116: {  	[timem:s3], [sflag:s2] =	dma.local @!p0 [hbm:s0], s1  }
0x117: {  	s0 =	simm.s32 @!p0 $0x3  }
0x118: {  	_ =	swait.ge @!p0 [sflag:s0], s1  }
0x119: {  	s1 =	ssub.s32 @!p0 $0x0, s1;
	[sflag:s0] =	ssyncset.done @!p0 $0x0  }
0x11a: {  	[sflag:s0] =	ssyncadd.s32 @!p0 s1  }
0x11b: {  	[bflag:$0x3] =	sbarrier.arrive $0xFFFF  }
0x11c: {  	_ =	shalt  }

// kernel: kernel.9.cloned.1.call-start
scs
__scs_entry_jumppad:
0x0: {  	(pc) =	sbr.rel $0x88, $3  }
0x1: {  	(tag) =	ssettag $0x0;
	lr =	simm.s32 $0x1  }
0x2: {  	[smem:$0x3F99] =	sst lr;
	_ =	strace $0xD0000000  }
0x3: {  	_ = 	snop  }
0x4: {  	_ = 	snop  }
0x5: {  	_ = 	snop  }
0x6: {  	_ = 	snop  }
0x7: {  	_ = 	snop  }
__scs_overlays_trampoline_lowered:
0x8: {  	[smem:$0x3FA8] =	sst s0  }
0x9: {  	[smem:$0x3FA9] =	sst s1  }
0xa: {  	[smem:$0x3FAA] =	sst s2  }
0xb: {  	[smem:$0x3FAB] =	sst s3  }
0xc: {  	[smem:$0x3FAC] =	sst s4  }
0xd: {  	[smem:$0x3FAD] =	sst s5  }
0xe: {  	[smem:$0x3FAE] =	sst s6  }
0xf: {  	[smem:$0x3FAF] =	sst s7  }
0x10: {  	[smem:$0x3FB0] =	sst s8  }
0x11: {  	[smem:$0x3FB1] =	sst s9;
	s0 =	simm.s32 @!p0 $0x0  }
0x12: {  	s1 =	sld [smem:$0x3F97];
	s0 =	simm.s32 @p0 $0x1  }
0x13: {  	[smem:$0x3FB2] =	sst s0;
	s0 =	simm.s32 @!p1 $0x0  }
0x14: {  	s2 =	sld [smem:$0x3F96];
	s0 =	simm.s32 @p1 $0x1  }
0x15: {  	[smem:$0x3FB3] =	sst s0;
	s0 =	simm.s32 @!p2 $0x0  }
0x16: {  	s3 =	sld [smem:$0x3FDB];
	s0 =	simm.s32 @p2 $0x1  }
0x17: {  	s4 =	simm.s32 $0x1BF5;
	[smem:$0x3FB5] =	sst s0  }
0x18: {  	s0 =	sld [smem:$0x3F98];
	_ =	swait.ge [sflag:s4], $0x0  }
0x19: {  	s7 =	sld [smem:$0x3F99]  }
0x1a: {  	s8 =	sadd.s32 $0xFFFFE003, lr  }
0x1b: {  	s9 =	sadd.s32 $0xFFFFFEF7, lr;
	s5 =	simm.s32 $0xFFFFFFFF;
	p2 =	slt.u32 s8, $0xFFFFF086  }
0x1c: {  	p1 =	slt.u32 s9, $0xF7A;
	s5 =	simm.s32 @!p2 $0x0  }
0x1d: {  	s5 =	simm.s32 @p1 $0x1;
	p0 =	seq.s32 s7, s2  }
0x1e: {  	s7 =	smul.u32 @!p0 $0xF7A, s2;
	p2 =	seq.s32 @!p0 s5, $0x0  }
0x1f: {  	s9 =	smul.u32 $0xF7A, s1;
	s8 =	simm.s32 @!p0 $0x1BF5;
	p2 =	por !p2, p0  }
0x20: {  	[sflag:s8] =	ssyncset.s32 @!p0 $0xFFFFF086;
	s6 =	sadd.s32 @!p0 s3, s7;
	s7 =	simm.s32 @!p0 $0x108  }
0x21: {  	s3 =	sadd.s32 s3, s9;
	s6 =	sadd.s32 @!p0 $0x88, s6;
	s7 =	simm.s32 @p2 $0x1082  }
0x22: {  	[simem:s7], [sflag:s8] =	dma.local @!p0 [hbm:s6], $0xF7A  }
0x23: {  	s9 =	sor.u32 $0xD0000000, s2;
	s6 =	simm.s32 $0x108;
	_ =	swait.ge @!p0 [sflag:s8], $0x0  }
0x24: {  	s3 =	sadd.s32 $0x88, s3;
	s6 =	simm.s32 @!p1 $0x1082;
	[sflag:s4] =	ssyncset.s32 $0xFFFFF086  }
0x25: {  	[simem:s6], [sflag:s4] =	dma.local [hbm:s3], $0xF7A  }
0x26: {  	[smem:$0x3F99] =	sst s1;
	(tag) =	ssettag s2;
	_ =	strace s9  }
0x27: {  	s1 =	sld [smem:$0x3FA9]  }
0x28: {  	s2 =	sld [smem:$0x3FAA]  }
0x29: {  	s4 =	sld [smem:$0x3FAC]  }
0x2a: {  	p0 =	seq.s32 s5, $0x0;
	s5 =	sld [smem:$0x3FAD]  }
0x2b: {  	s6 =	sld [smem:$0x3FAE]  }
0x2c: {  	s7 =	sld [smem:$0x3FAF]  }
0x2d: {  	s3 =	simm.s32 $0x108;
	s8 =	sld [smem:$0x3FB0]  }
0x2e: {  	s3 =	simm.s32 @!p0 $0x1082;
	s9 =	sld [smem:$0x3FB1]  }
0x2f: {  	lr =	sadd.s32 s0, s3;
	s0 =	sld [smem:$0x3FA8]  }
0x30: {  	s3 =	sld [smem:$0x3FAB]  }
0x31: {  	[smem:$0x3FB4] =	sst s10  }
0x32: {  	s10 =	sld [smem:$0x3FB2];
	_ =	sdelay $0x3  }
0x33: {  	p0 =	seq.s32 s10, $0x1;
	s10 =	sld [smem:$0x3FB4];
	_ =	sdelay $0x3  }
0x34: {  	[smem:$0x3FB4] =	sst s10  }
0x35: {  	s10 =	sld [smem:$0x3FB3];
	_ =	sdelay $0x3  }
0x36: {  	p1 =	seq.s32 s10, $0x1;
	s10 =	sld [smem:$0x3FB4];
	_ =	sdelay $0x3  }
0x37: {  	[smem:$0x3FB4] =	sst s10  }
0x38: {  	s10 =	sld [smem:$0x3FB5]  }
0x39: {  	_ = 	snop;
	(pc) =	sbr.ind lr, $3  }
0x3a: {  	_ = 	snop  }
0x3b: {  	_ = 	snop  }
0x3c: {  	p2 =	seq.s32 s10, $0x1;
	s10 =	sld [smem:$0x3FB4]  }
0x3d: {  	_ =	shalt  }
0x3e: {  	_ =	shalt  }
0x3f: {  	_ =	shalt  }
0x40: {  	_ =	shalt  }
0x41: {  	_ =	shalt  }
0x42: {  	_ =	shalt  }
0x43: {  	_ =	shalt  }
0x44: {  	_ =	shalt  }
0x45: {  	_ =	shalt  }
0x46: {  	_ =	shalt  }
0x47: {  	_ =	shalt  }
0x48: {  	_ =	shalt  }
0x49: {  	_ =	shalt  }
0x4a: {  	_ =	shalt  }
0x4b: {  	_ =	shalt  }
0x4c: {  	_ =	shalt  }
0x4d: {  	_ =	shalt  }
0x4e: {  	_ =	shalt  }
0x4f: {  	_ =	shalt  }
0x50: {  	_ =	shalt  }
0x51: {  	_ =	shalt  }
0x52: {  	_ =	shalt  }
0x53: {  	_ =	shalt  }
0x54: {  	_ =	shalt  }
0x55: {  	_ =	shalt  }
0x56: {  	_ =	shalt  }
0x57: {  	_ =	shalt  }
0x58: {  	_ =	shalt  }
0x59: {  	_ =	shalt  }
0x5a: {  	_ =	shalt  }
0x5b: {  	_ =	shalt  }
0x5c: {  	_ =	shalt  }
0x5d: {  	_ =	shalt  }
0x5e: {  	_ =	shalt  }
0x5f: {  	_ =	shalt  }
0x60: {  	_ =	shalt  }
0x61: {  	_ =	shalt  }
0x62: {  	_ =	shalt  }
0x63: {  	_ =	shalt  }
0x64: {  	_ =	shalt  }
0x65: {  	_ =	shalt  }
0x66: {  	_ =	shalt  }
0x67: {  	_ =	shalt  }
0x68: {  	_ =	shalt  }
0x69: {  	_ =	shalt  }
0x6a: {  	_ =	shalt  }
0x6b: {  	_ =	shalt  }
0x6c: {  	_ =	shalt  }
0x6d: {  	_ =	shalt  }
0x6e: {  	_ =	shalt  }
0x6f: {  	_ =	shalt  }
0x70: {  	_ =	shalt  }
0x71: {  	_ =	shalt  }
0x72: {  	_ =	shalt  }
0x73: {  	_ =	shalt  }
0x74: {  	_ =	shalt  }
0x75: {  	_ =	shalt  }
0x76: {  	_ =	shalt  }
0x77: {  	_ =	shalt  }
0x78: {  	_ =	shalt  }
0x79: {  	_ =	shalt  }
0x7a: {  	_ =	shalt  }
0x7b: {  	_ =	shalt  }
0x7c: {  	_ =	shalt  }
0x7d: {  	_ =	shalt  }
0x7e: {  	_ =	shalt  }
0x7f: {  	_ =	shalt  }
0x80: {  	_ =	shalt  }
0x81: {  	_ =	shalt  }
0x82: {  	_ =	shalt  }
0x83: {  	_ =	shalt  }
0x84: {  	_ =	shalt  }
0x85: {  	_ =	shalt  }
0x86: {  	_ =	shalt  }
0x87: {  	_ =	shalt  }
.Lfunc_end0:
.L_simem_size_0:
called_computation.1_lowered:
.L_overlay_start_0:
0x88: {  	s2 =	sld [smem:$0x3FD9]  }
0x89: {  	s3 =	sld [smem:$0x3FFE];
	_ =	sdelay $0x1  }
0x8a: {  	s1 =	srdreg.scid  }
0x8b: {  	s0 =	sand.u32 $0x1, s1  }
0x8c: {  	s17 =	sshll.u32 s0, $0xA;
	s2 =	sadd.s32 s3, s2  }
0x8d: {  	s2 =	sadd.s32 s2, s17  }
0x8e: {  	[smem:$0x3FC0] =	sst s2  }
0x8f: {  	_ = 	snop  }
0x90: {  	s2 =	sld [smem:$0x3FD0];
	(tm) =	ssettm $0x1  }
0x91: {  	s18 =	sld [smem:$0x3FFB];
	_ =	sdelay $0x3  }
0x92: {  	_ =	strace s18  }
0x93: {  	s3 =	sld [smem:$0x3FFC];
	_ =	sdelay $0x3  }
0x94: {  	_ =	strace s3  }
0x95: {  	s3 =	sld [smem:$0x3FFD];
	_ =	sdelay $0x3  }
0x96: {  	_ =	strace s3  }
0x97: {  	_ =	strace $0x8FFFFFFF  }
0x98: {  	s19 =	sld [smem:$0x3FDB];
	_ =	sdelay $0x1  }
0x99: {  	s4 =	simm.s32 $_scs_section_size  }
0x9a: {  	s5 =	simm.s32 $_size__tile_overlayer_lowered;
	s6 =	simm.s32 $_tile_overlayer_lowered  }
0x9b: {  	s22 =	simm.s32 $0x1BFF;
	s21 =	sshll.u32 s6, $0x1;
	s3 =	sadd.s32 s4, s19  }
0x9c: {  	s7 =	simm.s32 $0x0;
	s20 =	sshll.u32 s5, $0x1;
	s5 =	sadd.s32 s21, s3  }
0x9d: {  	[timem:s7], [sflag:s22] =	dma.local [hbm:s5], s20  }
0x9e: {  	_ =	swait.ge [sflag:s22], s20  }
0x9f: {  	s4 =	ssub.s32 $0x0, s20;
	[sflag:s22] =	ssyncset.done $0x0  }
0xa0: {  	[sflag:s22] =	ssyncadd.s32 s4;
	_ =	sdelay $0x1  }
0xa1: {  	s23 =	simm.s32 $0x1B8B  }
0xa2: {  	_ =	swait.ge [sflag:s23], $0x1  }
0xa3: {  	[sflag:s23] =	ssyncset.done $0x0  }
0xa4: {  	s25 =	simm.s32 $0x1B8E;
	s24 =	sld [smem:$0x3FFE];
	[sflag:s23] =	ssyncadd.s32 $0xFFFFFFFF  }
0xa5: {  	s26 =	simm.s32 $execute0_lowered;
	[smem:$0x3FD2] =	sst s25  }
0xa6: {  	s5 =	sshll.u32 s26, $0x1;
	_ =	strace $0x80000049;
	[dreg:$0x1] =	wrdreg $0xFFFFFFFF  }
0xa7: {  	s28 =	simm.s32 $_size_execute0_lowered;
	s3 =	sadd.s32 s3, s5;
	[dreg:$0x0] =	wrdreg $0x0  }
0xa8: {  	s5 =	sshll.u32 s28, $0x1;
	[dreg:$0x2] =	wrdreg s3  }
0xa9: {  	[dreg:$0x3] =	wrdreg s5  }
0xaa: {  	[dreg:$0x4] =	wrdreg $0xC0  }
0xab: {  	_ =	task [dreg:s7], $0x5FFFF  }
0xac: {  	[dreg:$0x1] =	wrdreg $0xFFFFFFFF  }
0xad: {  	[dreg:$0x0] =	wrdreg $0x60  }
0xae: {  	[dreg:$0x2] =	wrdreg s24  }
0xaf: {  	[dreg:$0x3] =	wrdreg s2  }
0xb0: {  	[dreg:$0x4] =	wrdreg $0xDE800  }
0xb1: {  	[dreg:$0x5] =	wrdreg $0x9  }
0xb2: {  	_ =	task.clear_ibuf [dreg:s7], $0x6FFFF;
	_ =	strace $0x90000049  }
0xb3: {  	s29 =	simm.s32 $0x9;
	_ =	strace $0x8000004B  }
0xb4: {  	_ =	swait.ge [sflag:s29], $0x1  }
0xb5: {  	[sflag:s29] =	ssyncadd.s32 $0xFFFFFFFF  }
0xb6: {  	_ =	strace $0x9000004B  }
0xb7: {  	_ =	sfence  }
0xb8: {  	s30 =	sld [smem:$0x0];
	_ =	sdelay $0x2  }
0xb9: {  	s31 =	sshll.u32 s1, $0xD;
	s1 =	sshrl.u32 s1, $0x2  }
0xba: {  	s3 =	sand.u32 $0x4000, s31;
	s1 =	sadd.s32 s1, s30  }
0xbb: {  	s0 =	sor.u32 s3, s0;
	s1 =	sshll.u32 s1, $0x11  }
0xbc: {  	s0 =	sor.u32 s1, s0  }
0xbd: {  	s0 =	sadd.s32 $0x8F2B, s0  }
0xbe: {  	[sflag:s0] =	ssyncadd.remote.s32 $0x1  }
0xbf: {  	_ =	sfence.sel $0xFFFF  }
0xc0: {  	[dreg:$0x0] =	wrdreg $0xFFFFFFFF;
	(pc) =	sbr.abs _section_cstart, $3  }
0xc1: {  	[dreg:$0x1] =	wrdreg $0xFFFFFFFF  }
0xc2: {  	_ =	task.clear_ibuf [dreg:s7], $0x2FFFF;
	_ =	strace $0x9FFFFFFF  }
0xc3: {  	(tm) =	ssettm $0x7FFFFFFF  }
tec
execute0_lowered:
.L_overlay_start_1:
0x0: {  	(tag) =	ssettag $0x1  }
0x1: {  	s5 =	rddreg [dreg:$0x0]  }
0x2: {  	s6 =	rddreg [dreg:$0x1]  }
0x3: {  	s2 =	rddreg [dreg:$0x2]  }
0x4: {  	s0 =	rddreg [dreg:$0x3]  }
0x5: {  	s3 =	simm.s32 $0x0;
	s1 =	stileid.u32;
	s4 =	srdreg.scid  }
0x6: {  	s15 =	simm.s32 $0x3;
	s16 =	simm.s32 $0x5000;
	s17 =	simm.s32 $0xA000  }
0x7: {  	s18 =	simm.s32 $0x7D;
	s19 =	simm.s32 $0x1;
	s20 =	simm.s32 $0xBF40  }
0x8: {  	s21 =	simm.s32 $0x2;
	s22 =	simm.s32 $0x4F80;
	s23 =	simm.s32 $0x9F00  }
0x9: {  	s24 =	simm.s32 $0x9F80;
	s26 =	simm.s32 $0x8;
	s7 =	smul.u32 $0x14000, s1  }
0xa: {  	s28 =	simm.s32 $0x0;
	[smem:$0x7FF] =	sst s3;
	s8 =	smul.u32 $0xA00, s1  }
0xb: {  	s25 =	sand.u32 $0x1, s4;
	s4 =	sadd.s32 $0xB400, s5;
	s29 =	smul.u32 $0x28000, s1  }
0xc: {  	_ =	strace $0x8000004A;
	s9 =	sshll.u32 s25, $0x6;
	s11 =	ssub.s32 $0x2, s25  }
0xd: {  	v0 =	vmov s25;
	s25 =	simm.s32 $0x10;
	s7 =	sor.u32 s9, s7;
	s10 =	sadd.s32 s8, s5  }
0xe: {  	s30 =	sshrl.u32 s11, $0x1;
	s31 =	sshrl.u32 s29, $0x2;
	s7 =	sshrl.u32 s7, $0x3  }
0xf: {  	s11 =	ssub.s32 s11, s30;
	s12 =	sadd.s32 s7, s5;
	s5 =	sadd.s32 s6, s8  }
0x10: {  	s6 =	sadd.s32 s31, s2;
	s7 =	sadd.s32 $0x1400, s10;
	s10 =	smax.u32 s11, $0x1  }
0x11: {  	s8 =	sadd.s32 $0x9C40, s6;
	s9 =	sadd.s32 $0x33400, s12;
	s11 =	sadd.s32 $0x1F40, s6  }
0x12: {  	v1 =	vimm.f32 $0.0e+00;
	s12 =	sadd.s32 $0x3E80, s6;
	s13 =	sadd.s32 $0x5DC0, s6;
	s14 =	sadd.s32 $0x7D00, s6  }
.LBB2_1:
0x13: {  	[tilespmem:s3], [sflag:$0x3] =	stream.linear.gather [hbm4b:s5+s3], $0x5000, $0x38;
	[tilespmem:$0x17E80] =	vst v63  }
0x14: {  	_ =	swait.ge [sflag:s15], $0x5000  }
0x15: {  	[sflag:s15] =	ssyncset.done $0x0  }
0x16: {  	[sflag:s15] =	ssyncadd.s32 $0xFFFFB000  }
0x17: {  	[tilespmem:s16], [sflag:$0x3] =	stream.linear.gather [hbm4b:s7+s3], $0x5000, $0x38;
	[tilespmem:$0x17E80] =	vst v63  }
0x18: {  	_ =	swait.ge [sflag:s15], $0x5000  }
0x19: {  	[sflag:s15] =	ssyncset.done $0x0  }
0x1a: {  	s29 =	simm.s32 $0x0;
	[sflag:s15] =	ssyncadd.s32 $0xFFFFB000  }
0x1b: {  	v2 =	vld [tilespmem:s29+$0x0]  }
0x1c: {  	v4 =	vld [tilespmem:s29+$0x10]  }
0x1d: {  	v6 =	vld [tilespmem:s29+$0x20]  }
0x1e: {  	v5 =	vld [tilespmem:s29+$0x30]  }
0x1f: {  	v3 =	vld [tilespmem:s29+$0x40]  }
0x20: {  	v7 =	vshll.u32 v2, $0x1;
	v2 =	vld [tilespmem:s29+$0x50]  }
0x21: {  	s30 =	simm.s32 $0x200;
	v8 =	vshll.u32 v4, $0x1;
	v4 =	vld [tilespmem:s29+$0x60];
	v7 =	vor.u32 v0, v7  }
.LBB2_2:
0x22: {  	p0 =	sne.s32 s30, $0x13E00;
	v9 =	vld [tilespmem:s29+$0x6D];
	[tilespmem:s29+$0x0] =	vst v7;
	v7 =	vor.u32 v0, v8;
	v6 =	vshll.u32 v6, $0x1  }
0x23: {  	s31 =	sshra.s32 s30, $0x2;
	[tilespmem:s29+$0x10] =	vst v7;
	v6 =	vor.u32 v0, v6;
	v5 =	vshll.u32 v5, $0x1  }
0x24: {  	v7 =	vld [tilespmem:s31+$0x0];
	[tilespmem:s29+$0x20] =	vst v6;
	v5 =	vor.u32 v0, v5;
	v3 =	vshll.u32 v3, $0x1  }
0x25: {  	v8 =	vld [tilespmem:s31+$0x10];
	[tilespmem:s29+$0x30] =	vst v5;
	v3 =	vor.u32 v0, v3;
	v2 =	vshll.u32 v2, $0x1  }
.Ltmp0:
0x26: {  	v6 =	vld [tilespmem:s31+$0x20];
	[tilespmem:s29+$0x40] =	vst v3;
	v2 =	vor.u32 v0, v2;
	v3 =	vshll.u32 v4, $0x1;
	(pc) =	sbr.rel @p0 .LBB2_2-.Ltmp0, $4  }
0x27: {  	v5 =	vld [tilespmem:s31+$0x30];
	[tilespmem:s29+$0x50] =	vst v2;
	v2 =	vor.u32 v0, v3;
	v4 =	vshll.u32 v9, $0x1  }
0x28: {  	v3 =	vld [tilespmem:s31+$0x40];
	[tilespmem:s29+$0x60] =	vst v2;
	v4 =	vor.u32 v0, v4  }
0x29: {  	v7 =	vshll.u32 v7, $0x1;
	v2 =	vld [tilespmem:s31+$0x50];
	[tilespmem:s29+$0x6D] =	vst v4;
	s29 =	smov.u32 s31  }
0x2a: {  	s30 =	sadd.s32 $0x200, s30;
	v7 =	vor.u32 v0, v7;
	v8 =	vshll.u32 v8, $0x1;
	v4 =	vld [tilespmem:s29+$0x60]  }
0x2b: {  	v9 =	vld [tilespmem:s29+$0x6D];
	[tilespmem:s29+$0x0] =	vst v7;
	v63 =	vor.u32 v0, v8;
	v6 =	vshll.u32 v6, $0x1  }
0x2c: {  	[tilespmem:s29+$0x10] =	vst v63;
	v6 =	vor.u32 v0, v6;
	v5 =	vshll.u32 v5, $0x1  }
0x2d: {  	[tilespmem:s29+$0x20] =	vst v6;
	v5 =	vor.u32 v0, v5;
	v3 =	vshll.u32 v3, $0x1  }
0x2e: {  	[tilespmem:s29+$0x30] =	vst v5;
	v3 =	vor.u32 v0, v3;
	v2 =	vshll.u32 v2, $0x1  }
0x2f: {  	[tilespmem:s29+$0x40] =	vst v3;
	v2 =	vor.u32 v0, v2;
	v3 =	vshll.u32 v4, $0x1  }
0x30: {  	[tilespmem:s29+$0x50] =	vst v2;
	v2 =	vor.u32 v0, v3;
	v3 =	vshll.u32 v9, $0x1  }
0x31: {  	[tilespmem:s29+$0x60] =	vst v2;
	v2 =	vor.u32 v0, v3  }
0x32: {  	s30 =	simm.s32 $0x100;
	[tilespmem:s29+$0x6D] =	vst v2;
	s29 =	simm.s32 $0x0  }
.LBB2_4:
0x33: {  	p0 =	sne.s32 s30, $0x7C00;
	[tilespmem:s29+$0xA030] =	vst v1;
	s31 =	smov.u32 s30;
	s30 =	sadd.s32 $0x100, s30  }
.Ltmp1:
0x34: {  	[tilespmem:s29+$0xA020] =	vst v1;
	(pc) =	sbr.rel @p0 .LBB2_4-.Ltmp1, $3  }
0x35: {  	[tilespmem:s29+$0xA000] =	vst v1  }
0x36: {  	[tilespmem:s29+$0xA010] =	vst v1;
	_ =	sdelay $0x1  }
0x37: {  	s29 =	sshra.s32 s31, $0x2  }
0x38: {  	[tilespmem:s29+$0xA030] =	vst v1  }
0x39: {  	[tilespmem:s29+$0xA020] =	vst v1  }
0x3a: {  	[tilespmem:s29+$0xA000] =	vst v1  }
0x3b: {  	[tilespmem:s29+$0xA010] =	vst v1  }
0x3c: {  	[spmem:s6] =	stream.linear.scatter [tilespmem:s17], [sflag:$0x3], $0x1F40, $0x38;
	[tilespmem:$0x17E80] =	vst v63  }
0x3d: {  	_ =	swait.ge [sflag:s15], $0x1F40  }
0x3e: {  	[sflag:s15] =	ssyncset.done $0x0  }
0x3f: {  	[sflag:s15] =	ssyncadd.s32 $0xFFFFE0C0  }
0x40: {  	[spmem:s11] =	stream.linear.scatter [tilespmem:s17], [sflag:$0x3], $0x1F40, $0x38;
	[tilespmem:$0x17E80] =	vst v63  }
0x41: {  	_ =	swait.ge [sflag:s15], $0x1F40  }
0x42: {  	[sflag:s15] =	ssyncset.done $0x0  }
0x43: {  	[sflag:s15] =	ssyncadd.s32 $0xFFFFE0C0  }
0x44: {  	[spmem:s12] =	stream.linear.scatter [tilespmem:s17], [sflag:$0x3], $0x1F40, $0x38;
	[tilespmem:$0x17E80] =	vst v63  }
0x45: {  	_ =	swait.ge [sflag:s15], $0x1F40  }
0x46: {  	[sflag:s15] =	ssyncset.done $0x0  }
0x47: {  	[sflag:s15] =	ssyncadd.s32 $0xFFFFE0C0  }
0x48: {  	[spmem:s13] =	stream.linear.scatter [tilespmem:s17], [sflag:$0x3], $0x1F40, $0x38;
	[tilespmem:$0x17E80] =	vst v63  }
0x49: {  	_ =	swait.ge [sflag:s15], $0x1F40  }
0x4a: {  	[sflag:s15] =	ssyncset.done $0x0  }
0x4b: {  	[sflag:s15] =	ssyncadd.s32 $0xFFFFE0C0  }
0x4c: {  	[spmem:s14] =	stream.linear.scatter [tilespmem:s17], [sflag:$0x3], $0x1F40, $0x38;
	[tilespmem:$0x17E80] =	vst v63  }
0x4d: {  	_ =	swait.ge [sflag:s15], $0x1F40  }
0x4e: {  	[sflag:s15] =	ssyncset.done $0x0  }
0x4f: {  	[sflag:s15] =	ssyncadd.s32 $0xFFFFE0C0  }
0x50: {  	[spmem:s8] =	stream.linear.scatter [tilespmem:s17], [sflag:$0x3], $0x3C0, $0x38;
	[tilespmem:$0x17E80] =	vst v63  }
0x51: {  	_ =	swait.ge [sflag:s15], $0x3C0  }
0x52: {  	[sflag:s15] =	ssyncset.done $0x0  }
0x53: {  	[sflag:s15] =	ssyncadd.s32 $0xFFFFFC40  }
0x54: {  	s29 =	simm.s32 $0x0;
	[bflag:$0x0] =	sbarrier.arrive $0xFFFF  }
0x55: {  	[tilespmem:s17], [sflag:$0x1] =	stream.indirect.gather [hbm4b:s4+s18], $0x40, s29, s18, $0xb8;
	[tilespmem:$0x17E80] =	vst v63  }
0x56: {  	_ =	swait.ge [sflag:s19], $0x1F40  }
0x57: {  	[sflag:s19] =	ssyncset.done $0x0  }
0x58: {  	s29 =	simm.s32 $0x80;
	[sflag:s19] =	ssyncadd.s32 $0xFFFFE0C0  }
0x59: {  	[tilespmem:s20], [sflag:$0x2] =	stream.indirect.gather [hbm4b:s4+s18], $0x40, s29, s18, $0xb8;
	[tilespmem:$0x17E80] =	vst v63  }
0x5a: {  	s29 =	simm.s32 $0x5000  }
0x5b: {  	[spmem:s2] =	stream.indirect.scatter.add.f32 [tilespmem:s17], [sflag:$0x3], $0x40, s29, s18, $0xb8;
	[tilespmem:$0x17E80] =	vst v63  }
0x5c: {  	_ =	swait.ge [sflag:s15], $0x1F40  }
0x5d: {  	[sflag:s15] =	ssyncset.done $0x0  }
0x5e: {  	[sflag:s15] =	ssyncadd.s32 $0xFFFFE0C0  }
0x5f: {  	_ =	swait.ge [sflag:s21], $0x1F40  }
0x60: {  	[sflag:s21] =	ssyncset.done $0x0  }
0x61: {  	s29 =	simm.s32 $0x100;
	[sflag:s21] =	ssyncadd.s32 $0xFFFFE0C0  }
0x62: {  	[tilespmem:s17], [sflag:$0x1] =	stream.indirect.gather [hbm4b:s4+s18], $0x40, s29, s18, $0xb8;
	[tilespmem:$0x17E80] =	vst v63  }
0x63: {  	s29 =	simm.s32 $0x5080  }
0x64: {  	[spmem:s2] =	stream.indirect.scatter.add.f32 [tilespmem:s20], [sflag:$0x3], $0x40, s29, s18, $0xb8;
	[tilespmem:$0x17E80] =	vst v63  }
0x65: {  	_ =	swait.ge [sflag:s15], $0x1F40  }
0x66: {  	s29 =	simm.s32 $0x400;
	[sflag:s15] =	ssyncset.done $0x0  }
.LBB2_6:
0x67: {  	p0 =	sne.s32 s29, $0x13800  }
0x68: {  	[sflag:s15] =	ssyncadd.s32 $0xFFFFE0C0;
	s30 =	smov.u32 s29;
	s29 =	sadd.s32 $0x400, s29  }
0x69: {  	_ = 	snop  }
0x6a: {  	_ =	swait.ge [sflag:s19], $0x1F40  }
0x6b: {  	s30 =	sshra.s32 s30, $0x2;
	[sflag:s19] =	ssyncset.done $0x0  }
0x6c: {  	s31 =	sadd.s32 $0x80, s30;
	[sflag:s19] =	ssyncadd.s32 $0xFFFFE0C0  }
0x6d: {  	[tilespmem:s20], [sflag:$0x2] =	stream.indirect.gather [hbm4b:s4+s18], $0x40, s31, s18, $0xb8;
	[tilespmem:$0x17E80] =	vst v63  }
0x6e: {  	s31 =	sadd.s32 $0x5000, s30  }
0x6f: {  	[spmem:s2] =	stream.indirect.scatter.add.f32 [tilespmem:s17], [sflag:$0x3], $0x40, s31, s18, $0xb8;
	[tilespmem:$0x17E80] =	vst v63  }
0x70: {  	_ =	swait.ge [sflag:s15], $0x1F40  }
0x71: {  	[sflag:s15] =	ssyncset.done $0x0  }
0x72: {  	[sflag:s15] =	ssyncadd.s32 $0xFFFFE0C0  }
0x73: {  	_ =	swait.ge [sflag:s21], $0x1F40  }
0x74: {  	[sflag:s21] =	ssyncset.done $0x0  }
0x75: {  	s31 =	sadd.s32 $0x100, s30;
	[sflag:s21] =	ssyncadd.s32 $0xFFFFE0C0  }
0x76: {  	[tilespmem:s17], [sflag:$0x1] =	stream.indirect.gather [hbm4b:s4+s18], $0x40, s31, s18, $0xb8;
	[tilespmem:$0x17E80] =	vst v63  }
.Ltmp2:
0x77: {  	_ = 	snop;
	(pc) =	sbr.rel @p0 .LBB2_6-.Ltmp2, $4  }
0x78: {  	s30 =	sadd.s32 $0x5080, s30  }
0x79: {  	[spmem:s2] =	stream.indirect.scatter.add.f32 [tilespmem:s20], [sflag:$0x3], $0x40, s30, s18, $0xb8;
	[tilespmem:$0x17E80] =	vst v63  }
0x7a: {  	_ =	swait.ge [sflag:s15], $0x1F40  }
0x7b: {  	[sflag:s15] =	ssyncset.done $0x0  }
0x7c: {  	[sflag:s15] =	ssyncadd.s32 $0xFFFFE0C0  }
0x7d: {  	_ =	swait.ge [sflag:s19], $0x1F40  }
0x7e: {  	[sflag:s19] =	ssyncset.done $0x0  }
0x7f: {  	[sflag:s19] =	ssyncadd.s32 $0xFFFFE0C0  }
0x80: {  	[tilespmem:s20], [sflag:$0x2] =	stream.indirect.gather [hbm4b:s4+s18], $0x40, s22, s18, $0xb8;
	[tilespmem:$0x17E80] =	vst v63  }
0x81: {  	_ = 	snop  }
0x82: {  	[spmem:s2] =	stream.indirect.scatter.add.f32 [tilespmem:s17], [sflag:$0x3], $0x40, s23, s18, $0xb8;
	[tilespmem:$0x17E80] =	vst v63  }
0x83: {  	_ =	swait.ge [sflag:s15], $0x1F40  }
0x84: {  	[sflag:s15] =	ssyncset.done $0x0  }
0x85: {  	[sflag:s15] =	ssyncadd.s32 $0xFFFFE0C0  }
0x86: {  	_ =	swait.ge [sflag:s21], $0x1F40  }
0x87: {  	[sflag:s21] =	ssyncset.done $0x0  }
0x88: {  	[sflag:s21] =	ssyncadd.s32 $0xFFFFE0C0  }
0x89: {  	[spmem:s2] =	stream.indirect.scatter.add.f32 [tilespmem:s20], [sflag:$0x3], $0x40, s24, s18, $0xb8;
	[tilespmem:$0x17E80] =	vst v63  }
0x8a: {  	_ =	swait.ge [sflag:s15], $0x1F40  }
0x8b: {  	s29 =	sshll.u32 s1, $0x6;
	s28 =	sadd.s32 $0x1, s28;
	[sflag:s15] =	ssyncset.done $0x0  }
0x8c: {  	s30 =	sshrl.u32 s6, $0x3;
	p0 =	sne.s32 s28, s10;
	[sflag:s15] =	ssyncadd.s32 $0xFFFFE0C0  }
.Ltmp3:
0x8d: {  	s29 =	sor.u32 $0x1C03, s29;
	[bflag:$0x0] =	sbarrier.arrive $0xFFFF;
	(pc) =	sbr.rel @p0 .LBB2_1-.Ltmp3, $4  }
0x8e: {  	[hbm:s9@s25], [sflag:s29] =	dma.strided [spmem:s30@s26], $0x1400, s19, $0x8   }
0x8f: {  	_ =	swait.ge [sflag:s15], $0x1400  }
0x90: {  	[sflag:s15] =	ssyncset.done $0x0  }
0x91: {  	[sflag:s15] =	ssyncadd.s32 $0xFFFFEC00  }
0x92: {  	_ =	sfence.sel $0x180000  }
0x93: {  	[bflag:$0x0] =	sbarrier.arrive $0xFFFF  }
0x94: {  	p0 =	sne.s32 s1, $0x0;
	_ =	strace $0x9000004A  }
0x95: {  	s0 =	sadd.s32 @!p0 $0x100000, s0;
	[bflag:$0x2] =	sbarrier.arrive $0xFFFF  }
0x96: {  	[sflag:s0] =	ssyncadd.tile.s32 @!p0 $0x1;
	_ =	shalt  }
.Lfunc_end2:
_tile_overlayer_lowered:
.L_overlay_start_2:
0x97: {  	(tag) =	ssettag $0x2  }
0x98: {  	s0 =	rddreg [dreg:$0x0];
	s2 =	stileid.u32  }
0x99: {  	s1 =	rddreg [dreg:$0x1];
	p0 =	sne.s32 s2, $0x0  }
0x9a: {  	s3 =	rddreg [dreg:$0x2];
	[bflag:$0x3] =	sbarrier.arrive $0xFFFF;
	s2 =	simm.s32 @!p0 $0x1C03  }
0x9b: {  	[timem:s3], [sflag:s2] =	dma.local @!p0 [hbm:s0], s1  }
0x9c: {  	s0 =	simm.s32 @!p0 $0x3  }
0x9d: {  	_ =	swait.ge @!p0 [sflag:s0], s1  }
0x9e: {  	s1 =	ssub.s32 @!p0 $0x0, s1;
	[sflag:s0] =	ssyncset.done @!p0 $0x0  }
0x9f: {  	[sflag:s0] =	ssyncadd.s32 @!p0 s1  }
0xa0: {  	[bflag:$0x3] =	sbarrier.arrive $0xFFFF  }
0xa1: {  	_ =	shalt  }

</sc_bundles>
